<compile_context>
chip_gen: v7x
topology: tpu7x:2x2x1
jax: 0.10.2.dev20260603
libtpu: 0.0.44.dev20260713+nightly
codegen_flags: <defaults>
</compile_context>

<pallas_src>
import functools

import jax
import jax.numpy as jnp
from jax import lax
from jax.experimental import pallas as pl
from jax.experimental.pallas import tpu as pltpu
from jax.experimental.pallas import tpu_sc as plsc

T = 2048
H = 1024
I = 1024
E = 8
P = 2 * T
B = 256
NB = P // B
NT = NB + E
PA = NT * B

TB = 1024

NC = 2
NS = 16
NW = NC * NS
ROWS_PER_W = P // NW
SC_CHUNK = 32


def _silu(v):
    return v * jax.nn.sigmoid(v)


def _router_kernel(l_ref, w1_ref, w2_ref, pos_ref, meta_ref):
    l = l_ref[...]
    col = lax.broadcasted_iota(jnp.int32, (T, E), 1)
    m1 = jnp.max(l, axis=1, keepdims=True)
    i1 = jnp.min(jnp.where(l == m1, col, E), axis=1, keepdims=True)
    l2 = jnp.where(col == i1, -jnp.inf, l)
    m2 = jnp.max(l2, axis=1, keepdims=True)
    i2 = jnp.min(jnp.where(l2 == m2, col, E), axis=1, keepdims=True)
    denom = jnp.maximum(m1 + m2, 1e-9)
    w1_ref[...] = m1 / denom
    w2_ref[...] = m2 / denom

    a = (jnp.where(col == i1, 1.0, 0.0)
         + jnp.where(col == i2, 1.0, 0.0))
    tr = lax.broadcasted_iota(jnp.int32, (T, T), 0)
    tc_ = lax.broadcasted_iota(jnp.int32, (T, T), 1)
    tri = jnp.where(tc_ <= tr, 1.0, 0.0)
    cinc = jnp.dot(tri, a, preferred_element_type=jnp.float32)
    cexc = cinc - a
    counts = cinc[T - 1:T, :]
    r8 = lax.broadcasted_iota(jnp.int32, (E, E), 0)
    c8 = lax.broadcasted_iota(jnp.int32, (E, E), 1)
    tr8s = jnp.where(r8 < c8, 1.0, 0.0)
    blocks = jnp.ceil(counts * (1.0 / B))
    tb = jnp.dot(blocks, tr8s, preferred_element_type=jnp.float32,
                 precision=lax.Precision.HIGHEST)
    offs = tb * B
    slot = cexc + offs
    pos0 = jnp.sum(jnp.where(col == i1, slot, 0.0), axis=1, keepdims=True)
    pos1 = jnp.sum(jnp.where(col == i2, slot, 0.0), axis=1, keepdims=True)
    pos_ref[0:T, :] = pos0.astype(jnp.int32)
    pos_ref[T:P, :] = pos1.astype(jnp.int32)

    rr = lax.broadcasted_iota(jnp.int32, (NT, 1), 0).astype(jnp.float32)
    own = jnp.sum(jnp.where(tb <= rr, 1.0, 0.0), axis=1,
                  keepdims=True) - 1.0
    erow = lax.broadcasted_iota(jnp.int32, (NT, E), 1).astype(jnp.float32)
    c_own = jnp.sum(jnp.where(erow == own, counts, 0.0), axis=1,
                    keepdims=True)
    tb_own = jnp.sum(jnp.where(erow == own, tb, 0.0), axis=1,
                     keepdims=True)
    hi = jnp.clip(c_own - (rr - tb_own) * B, 0.0, float(B))
    metaf = jnp.concatenate([rr, own, jnp.zeros((NT, 1), jnp.float32), hi,
                             jnp.ones((NT, 1), jnp.float32)], axis=1)
    meta_ref[...] = metaf.astype(jnp.int32)


def _router(l):
    return pl.pallas_call(
        _router_kernel,
        out_shape=(
            jax.ShapeDtypeStruct((T, 1), jnp.float32),
            jax.ShapeDtypeStruct((T, 1), jnp.float32),
            jax.ShapeDtypeStruct((P, 1), jnp.int32),
            jax.ShapeDtypeStruct((NT, 5), jnp.int32),
        ),
    )(l)


def _sc_mesh():
    return plsc.VectorSubcoreMesh(core_axis_name="c", subcore_axis_name="s")


def _sc_scatter_rows(x, pos):
    @functools.partial(
        pl.kernel,
        out_type=jax.ShapeDtypeStruct((PA, H), jnp.float32),
        mesh=_sc_mesh(),
        scratch_types=[pltpu.VMEM((SC_CHUNK,), jnp.int32),
                       pltpu.VMEM((SC_CHUNK, H), jnp.float32)],
    )
    def k(x_hbm, idx_hbm, out_hbm, idx_v, rows_v):
        wid = lax.axis_index("s") * NC + lax.axis_index("c")
        base = wid * ROWS_PER_W
        for cch in range(ROWS_PER_W // SC_CHUNK):
            off = base + cch * SC_CHUNK
            src = lax.rem(off, T)
            pltpu.sync_copy(idx_hbm.at[pl.ds(off, SC_CHUNK)], idx_v)
            pltpu.sync_copy(x_hbm.at[pl.ds(src, SC_CHUNK)], rows_v)
            pltpu.sync_copy(rows_v, out_hbm.at[idx_v])

    return k(x, pos)


def _sc_gather_rows(y, pos):
    @functools.partial(
        pl.kernel,
        out_type=jax.ShapeDtypeStruct((P, H), jnp.float32),
        mesh=_sc_mesh(),
        scratch_types=[pltpu.VMEM((SC_CHUNK,), jnp.int32),
                       pltpu.VMEM((SC_CHUNK, H), jnp.float32),
                       pltpu.SemaphoreType.DMA],
    )
    def k(y_hbm, idx_hbm, out_hbm, idx_v, rows_v, sem):
        wid = lax.axis_index("s") * NC + lax.axis_index("c")
        base = wid * ROWS_PER_W
        for cch in range(ROWS_PER_W // SC_CHUNK):
            off = base + cch * SC_CHUNK
            pltpu.sync_copy(idx_hbm.at[pl.ds(off, SC_CHUNK)], idx_v)
            pltpu.async_copy(y_hbm.at[idx_v], rows_v, sem).wait()
            pltpu.sync_copy(rows_v, out_hbm.at[pl.ds(off, SC_CHUNK)])

    return k(y, pos)


def _gemm_kernel(meta_ref, xs_ref, wi_ref, wo_ref, y_ref):
    i = pl.program_id(0)
    hi = meta_ref[i, 3]

    @pl.when(hi > 0)
    def _():
        xs = xs_ref[...]
        wi = jnp.dot(xs, wi_ref[0], preferred_element_type=jnp.float32)
        x_proj = wi[:, :I]
        gate_e = wi[:, I:]
        y = jnp.dot(_silu(gate_e) * x_proj, wo_ref[0],
                    preferred_element_type=jnp.float32)
        rows = lax.broadcasted_iota(jnp.int32, (B, 1), 0)
        y_ref[...] = jnp.where(rows < hi, y, 0.0)


def _grouped_gemm(meta, xs, Wi, Wo):
    grid_spec = pltpu.PrefetchScalarGridSpec(
        num_scalar_prefetch=1,
        grid=(NT,),
        in_specs=[
            pl.BlockSpec((B, H), lambda i, m: (m[i, 0], 0)),
            pl.BlockSpec((1, H, 2 * I), lambda i, m: (m[i, 1], 0, 0)),
            pl.BlockSpec((1, I, H), lambda i, m: (m[i, 1], 0, 0)),
        ],
        out_specs=pl.BlockSpec((B, H), lambda i, m: (m[i, 0], 0)),
    )
    return pl.pallas_call(
        _gemm_kernel,
        grid_spec=grid_spec,
        out_shape=jax.ShapeDtypeStruct((PA, H), jnp.float32),
    )(meta, xs, Wi, Wo)


def _shared_kernel(x_ref, wis_ref, wos_ref, out_ref):
    h = jnp.dot(x_ref[...], wis_ref[...], preferred_element_type=jnp.float32)
    inp_s = h[:, :I]
    gate_s = h[:, I:]
    out_ref[...] = jnp.dot(_silu(inp_s) * gate_s, wos_ref[...],
                           preferred_element_type=jnp.float32)


def _shared(x, Wi_s, Wo_s):
    return pl.pallas_call(
        _shared_kernel,
        grid=(T // TB,),
        in_specs=[
            pl.BlockSpec((TB, H), lambda t: (t, 0)),
            pl.BlockSpec((H, 2 * I), lambda t: (0, 0)),
            pl.BlockSpec((I, H), lambda t: (0, 0)),
        ],
        out_specs=pl.BlockSpec((TB, H), lambda t: (t, 0)),
        out_shape=jax.ShapeDtypeStruct((T, H), jnp.float32),
    )(x, Wi_s, Wo_s)


def _combine_kernel(sh_ref, y0_ref, y1_ref, w1_ref, w2_ref, out_ref):
    out_ref[...] = (sh_ref[...] + w1_ref[...] * y0_ref[...]
                    + w2_ref[...] * y1_ref[...])


def _combine(shared, ys, w1, w2):
    nb0 = T // TB
    return pl.pallas_call(
        _combine_kernel,
        grid=(nb0,),
        in_specs=[
            pl.BlockSpec((TB, H), lambda t: (t, 0)),
            pl.BlockSpec((TB, H), lambda t: (t, 0)),
            pl.BlockSpec((TB, H), lambda t: (t + nb0, 0)),
            pl.BlockSpec((TB, 1), lambda t: (t, 0)),
            pl.BlockSpec((TB, 1), lambda t: (t, 0)),
        ],
        out_specs=pl.BlockSpec((TB, H), lambda t: (t, 0)),
        out_shape=jax.ShapeDtypeStruct((T, H), jnp.float32),
    )(shared, ys, ys, w1, w2)


@jax.jit
def kernel(x, gate_w, Wi, Wo, Wi_s, Wo_s):
    logits = jax.nn.sigmoid((x @ gate_w.T).astype(jnp.float32))
    w1, w2, pos, meta = _router(logits)
    pos1d = pos.reshape(P)
    xs = _sc_scatter_rows(x, pos1d)
    y = _grouped_gemm(meta, xs, Wi, Wo)
    ys = _sc_gather_rows(y, pos1d)
    shared = _shared(x, Wi_s, Wo_s)
    return _combine(shared, ys, w1, w2)

# --- scband reference (transcript-rebuilt; emitter-appended) ---
"""Pipeline reference for scband-mo-elayer-87462714016471 (READ-ONLY COPY).

The authoritative reference and input builder live on the scoring server;
editing this copy changes nothing except your own understanding.
"""

import jax, jax.numpy as jnp
import numpy as np

T = 2048
H = 1024
I = 1024
E = 8
TOP_K = 2
ROUTED_SCALING = 1.0


def setup_inputs(seed: int = 0) -> dict:
    key = jax.random.key(seed)
    ks = jax.random.split(key, 6)
    x = jax.random.normal(ks[0], (T, H), dtype=jnp.float32)
    gate_w = jax.random.normal(ks[1], (E, H), dtype=jnp.float32) * 0.02
    Wi = jax.random.normal(ks[2], (E, H, 2 * I), dtype=jnp.float32) * 0.02
    Wo = jax.random.normal(ks[3], (E, I, H), dtype=jnp.float32) * 0.02
    Wi_s = jax.random.normal(ks[4], (H, 2 * I), dtype=jnp.float32) * 0.02
    Wo_s = jax.random.normal(ks[5], (I, H), dtype=jnp.float32) * 0.02
    return {"x": x, "gate_w": gate_w, "Wi": Wi, "Wo": Wo, "Wi_s": Wi_s, "Wo_s": Wo_s}


def reference(x, gate_w, Wi, Wo, Wi_s, Wo_s):
    # ---- shared expert (ModernBertSwiGLUMLP): inp, gate = Wi(x).chunk(2); Wo(act(inp)*gate)
    h = x @ Wi_s                                   # [T, 2I]
    inp_s, gate_s = jnp.split(h, 2, axis=-1)
    shared_out = (jax.nn.silu(inp_s) * gate_s) @ Wo_s   # [T, H]

    # ---- router: sigmoid top-k with zero-initialized correction bias (n_group == 1)
    raw_logits = (x @ gate_w.T).astype(jnp.float32)     # [T, E]
    logits = jax.nn.sigmoid(raw_logits)
    z_loss = jnp.mean(jnp.square(raw_logits))
    selection_logits = logits  # correction_bias buffer is zeros
    _, indices = jax.lax.top_k(selection_logits, TOP_K)      # [T, top_k]
    # bias-free combine weights gathered from raw sigmoid scores
    weights = jnp.take_along_axis(logits, indices, axis=-1)  # [T, top_k]
    denom = jnp.clip(jnp.sum(weights, axis=-1, keepdims=True), 1e-9, None)
    weights = weights / denom

    # ---- routed experts: math-equivalent to sorted dispatch + grouped GEMM
    # wi = x @ Wi[e]; x_proj, gate = wi.chunk(2); activated = silu(gate) * x_proj; out = activated @ Wo[e]
    wi_all = jnp.einsum('th,ehf->tef', x, Wi)          # [T, E, 2I]
    x_proj, gate_e = jnp.split(wi_all, 2, axis=-1)
    activated = jax.nn.silu(gate_e) * x_proj            # [T, E, I]  (dropout p=0.0 -> identity)
    out_all = jnp.einsum('tei,eio->teo', activated, Wo) # [T, E, H]
    gathered = jnp.take_along_axis(out_all, indices[:, :, None], axis=1)  # [T, top_k, H]
    expert_out = jnp.sum(weights[:, :, None] * gathered, axis=1) * ROUTED_SCALING

    # aux load-balance loss (stored on module; not part of returned hidden states)
    router_mass = logits / jnp.clip(jnp.sum(logits, axis=-1, keepdims=True), 1e-9, None)
    mean_mass = jnp.mean(router_mass, axis=0)
    target = jnp.ones_like(mean_mass) / E
    aux = 0.01 * jnp.sum(jnp.square(mean_mass - target)) + 0.001 * z_loss
    del aux  # losses are side-channel in the torch module; forward returns hidden states

    return shared_out + expert_out

if __name__ == "__main__":
    import jax
    _d = setup_inputs()
    print(jax.jit(kernel)(*tuple(_d.values())))

</pallas_src>

<mosaic_0001>
#map = affine_map<(d0, d1) -> (0, 0)>
#map1 = affine_map<(d0, d1) -> (0)>
module attributes {stable_mosaic.version = 14 : i64} {
  func.func @k(%arg0: i32, %arg1: i32, %arg2: memref<6144x1024xf32, #tpu.memory_space<hbm>>, %arg3: memref<4096xi32, #tpu.memory_space<hbm>>, %arg4: memref<4096x1024xf32, #tpu.memory_space<hbm>>, %arg5: memref<32xi32, #tpu.memory_space<vmem>>, %arg6: memref<32x1024xf32, #tpu.memory_space<vmem>>, %arg7: memref<!tpu.dma_semaphore, #tpu.memory_space<semaphore_mem>>) attributes {dimension_semantics = [#tpu.dimension_semantics<core_parallel>, #tpu.dimension_semantics<subcore_parallel>], iteration_bounds = array<i64: 2, 16>, scalar_prefetch = 0 : i64, scratch_operands = 3 : i64, tpu.core_type = #tpu.core_type<sc_vector_subcore>, window_params = [{transform_indices = #map}, {transform_indices = #map1}, {transform_indices = #map}]} {
    %mul3A = arith.constant 2 : i32
    %mul3A_0 = arith.muli %arg1, %mul3A : i32
    %add3A = arith.addi %mul3A_0, %arg0 : i32
    %mul3A_1 = arith.constant 128 : i32
    %mul3A_2 = arith.muli %add3A, %mul3A_1 : i32
    %add3A_3 = arith.constant 0 : i32
    %add3A_4 = arith.addi %mul3A_2, %add3A_3 : i32
    "tpu.region"() ({
      %run_scoped3A = tpu.sem_alloc : memref<!tpu.dma_semaphore, #tpu.memory_space<semaphore_mem>>
      %dma_start3A_33 = tpu.memref_slice %arg3[%add3A_4] : memref<4096xi32, #tpu.memory_space<hbm>> -> memref<32xi32, #tpu.memory_space<hbm>>
      %dma_start3A_34 = tpu.memref_slice %arg3[%add3A_4] : memref<4096xi32, #tpu.memory_space<hbm>> -> memref<32xi32, #tpu.memory_space<hbm>>
      tpu.enqueue_dma source(%dma_start3A_34 : memref<32xi32, #tpu.memory_space<hbm>>) target(%arg5 : memref<32xi32, #tpu.memory_space<vmem>>) target_semaphore(%run_scoped3A : memref<!tpu.dma_semaphore, #tpu.memory_space<semaphore_mem>>)
      %dma_wait3A_35 = tpu.memref_slice %arg3[%add3A_4] : memref<4096xi32, #tpu.memory_space<hbm>> -> memref<32xi32, #tpu.memory_space<hbm>>
      %dma_wait3A_36 = tpu.memref_slice %arg3[%add3A_4] : memref<4096xi32, #tpu.memory_space<hbm>> -> memref<32xi32, #tpu.memory_space<hbm>>
      tpu.wait_dma2 semaphore(%run_scoped3A : memref<!tpu.dma_semaphore, #tpu.memory_space<semaphore_mem>>) src(%dma_wait3A_36 : memref<32xi32, #tpu.memory_space<hbm>>) dst(%arg5 : memref<32xi32, #tpu.memory_space<vmem>>)
      tpu.yield
    }) : () -> ()
    %dma_start3A = arith.constant 0 : i32
    %dma_start3A_5 = arith.constant 0 : i32
    %dma_start3A_6 = tpu.memref_slice %arg2[%dma_start3A, %dma_start3A_5] : memref<6144x1024xf32, #tpu.memory_space<hbm>> -> memref<6144x1024xf32, #tpu.memory_space<hbm>>
    tpu.enqueue_indirect_dma source(%dma_start3A_6 : memref<6144x1024xf32, #tpu.memory_space<hbm>>) target(%arg6 : memref<32x1024xf32, #tpu.memory_space<vmem>>) offsets(%arg5 : memref<32xi32, #tpu.memory_space<vmem>>) semaphore(%arg7 : memref<!tpu.dma_semaphore, #tpu.memory_space<semaphore_mem>>)
    %dma_wait3A = arith.constant 0 : i32
    %dma_wait3A_7 = arith.constant 0 : i32
    %dma_wait3A_8 = tpu.memref_slice %arg2[%dma_wait3A, %dma_wait3A_7] : memref<6144x1024xf32, #tpu.memory_space<hbm>> -> memref<6144x1024xf32, #tpu.memory_space<hbm>>
    tpu.wait_indirect_dma semaphore(%arg7 : memref<!tpu.dma_semaphore, #tpu.memory_space<semaphore_mem>>) src(%dma_wait3A_8 : memref<6144x1024xf32, #tpu.memory_space<hbm>>) dst(%arg6 : memref<32x1024xf32, #tpu.memory_space<vmem>>)
    "tpu.region"() ({
      %run_scoped3A = tpu.sem_alloc : memref<!tpu.dma_semaphore, #tpu.memory_space<semaphore_mem>>
      %dma_start3A_33 = arith.constant 0 : i32
      %dma_start3A_34 = tpu.memref_slice %arg4[%add3A_4, %dma_start3A_33] : memref<4096x1024xf32, #tpu.memory_space<hbm>> -> memref<32x1024xf32, #tpu.memory_space<hbm>>
      %dma_start3A_35 = arith.constant 0 : i32
      %dma_start3A_36 = tpu.memref_slice %arg4[%add3A_4, %dma_start3A_35] : memref<4096x1024xf32, #tpu.memory_space<hbm>> -> memref<32x1024xf32, #tpu.memory_space<hbm>>
      tpu.enqueue_dma source(%arg6 : memref<32x1024xf32, #tpu.memory_space<vmem>>) target(%dma_start3A_36 : memref<32x1024xf32, #tpu.memory_space<hbm>>) target_semaphore(%run_scoped3A : memref<!tpu.dma_semaphore, #tpu.memory_space<semaphore_mem>>)
      %dma_wait3A_37 = arith.constant 0 : i32
      %dma_wait3A_38 = tpu.memref_slice %arg4[%add3A_4, %dma_wait3A_37] : memref<4096x1024xf32, #tpu.memory_space<hbm>> -> memref<32x1024xf32, #tpu.memory_space<hbm>>
      %dma_wait3A_39 = arith.constant 0 : i32
      %dma_wait3A_40 = tpu.memref_slice %arg4[%add3A_4, %dma_wait3A_39] : memref<4096x1024xf32, #tpu.memory_space<hbm>> -> memref<32x1024xf32, #tpu.memory_space<hbm>>
      tpu.wait_dma2 semaphore(%run_scoped3A : memref<!tpu.dma_semaphore, #tpu.memory_space<semaphore_mem>>) src(%arg6 : memref<32x1024xf32, #tpu.memory_space<vmem>>) dst(%dma_wait3A_40 : memref<32x1024xf32, #tpu.memory_space<hbm>>)
      tpu.yield
    }) : () -> ()
    %add3A_9 = arith.constant 32 : i32
    %add3A_10 = arith.addi %mul3A_2, %add3A_9 : i32
    "tpu.region"() ({
      %run_scoped3A = tpu.sem_alloc : memref<!tpu.dma_semaphore, #tpu.memory_space<semaphore_mem>>
      %dma_start3A_33 = tpu.memref_slice %arg3[%add3A_10] : memref<4096xi32, #tpu.memory_space<hbm>> -> memref<32xi32, #tpu.memory_space<hbm>>
      %dma_start3A_34 = tpu.memref_slice %arg3[%add3A_10] : memref<4096xi32, #tpu.memory_space<hbm>> -> memref<32xi32, #tpu.memory_space<hbm>>
      tpu.enqueue_dma source(%dma_start3A_34 : memref<32xi32, #tpu.memory_space<hbm>>) target(%arg5 : memref<32xi32, #tpu.memory_space<vmem>>) target_semaphore(%run_scoped3A : memref<!tpu.dma_semaphore, #tpu.memory_space<semaphore_mem>>)
      %dma_wait3A_35 = tpu.memref_slice %arg3[%add3A_10] : memref<4096xi32, #tpu.memory_space<hbm>> -> memref<32xi32, #tpu.memory_space<hbm>>
      %dma_wait3A_36 = tpu.memref_slice %arg3[%add3A_10] : memref<4096xi32, #tpu.memory_space<hbm>> -> memref<32xi32, #tpu.memory_space<hbm>>
      tpu.wait_dma2 semaphore(%run_scoped3A : memref<!tpu.dma_semaphore, #tpu.memory_space<semaphore_mem>>) src(%dma_wait3A_36 : memref<32xi32, #tpu.memory_space<hbm>>) dst(%arg5 : memref<32xi32, #tpu.memory_space<vmem>>)
      tpu.yield
    }) : () -> ()
    %dma_start3A_11 = arith.constant 0 : i32
    %dma_start3A_12 = arith.constant 0 : i32
    %dma_start3A_13 = tpu.memref_slice %arg2[%dma_start3A_11, %dma_start3A_12] : memref<6144x1024xf32, #tpu.memory_space<hbm>> -> memref<6144x1024xf32, #tpu.memory_space<hbm>>
    tpu.enqueue_indirect_dma source(%dma_start3A_13 : memref<6144x1024xf32, #tpu.memory_space<hbm>>) target(%arg6 : memref<32x1024xf32, #tpu.memory_space<vmem>>) offsets(%arg5 : memref<32xi32, #tpu.memory_space<vmem>>) semaphore(%arg7 : memref<!tpu.dma_semaphore, #tpu.memory_space<semaphore_mem>>)
    %dma_wait3A_14 = arith.constant 0 : i32
    %dma_wait3A_15 = arith.constant 0 : i32
    %dma_wait3A_16 = tpu.memref_slice %arg2[%dma_wait3A_14, %dma_wait3A_15] : memref<6144x1024xf32, #tpu.memory_space<hbm>> -> memref<6144x1024xf32, #tpu.memory_space<hbm>>
    tpu.wait_indirect_dma semaphore(%arg7 : memref<!tpu.dma_semaphore, #tpu.memory_space<semaphore_mem>>) src(%dma_wait3A_16 : memref<6144x1024xf32, #tpu.memory_space<hbm>>) dst(%arg6 : memref<32x1024xf32, #tpu.memory_space<vmem>>)
    "tpu.region"() ({
      %run_scoped3A = tpu.sem_alloc : memref<!tpu.dma_semaphore, #tpu.memory_space<semaphore_mem>>
      %dma_start3A_33 = arith.constant 0 : i32
      %dma_start3A_34 = tpu.memref_slice %arg4[%add3A_10, %dma_start3A_33] : memref<4096x1024xf32, #tpu.memory_space<hbm>> -> memref<32x1024xf32, #tpu.memory_space<hbm>>
      %dma_start3A_35 = arith.constant 0 : i32
      %dma_start3A_36 = tpu.memref_slice %arg4[%add3A_10, %dma_start3A_35] : memref<4096x1024xf32, #tpu.memory_space<hbm>> -> memref<32x1024xf32, #tpu.memory_space<hbm>>
      tpu.enqueue_dma source(%arg6 : memref<32x1024xf32, #tpu.memory_space<vmem>>) target(%dma_start3A_36 : memref<32x1024xf32, #tpu.memory_space<hbm>>) target_semaphore(%run_scoped3A : memref<!tpu.dma_semaphore, #tpu.memory_space<semaphore_mem>>)
      %dma_wait3A_37 = arith.constant 0 : i32
      %dma_wait3A_38 = tpu.memref_slice %arg4[%add3A_10, %dma_wait3A_37] : memref<4096x1024xf32, #tpu.memory_space<hbm>> -> memref<32x1024xf32, #tpu.memory_space<hbm>>
      %dma_wait3A_39 = arith.constant 0 : i32
      %dma_wait3A_40 = tpu.memref_slice %arg4[%add3A_10, %dma_wait3A_39] : memref<4096x1024xf32, #tpu.memory_space<hbm>> -> memref<32x1024xf32, #tpu.memory_space<hbm>>
      tpu.wait_dma2 semaphore(%run_scoped3A : memref<!tpu.dma_semaphore, #tpu.memory_space<semaphore_mem>>) src(%arg6 : memref<32x1024xf32, #tpu.memory_space<vmem>>) dst(%dma_wait3A_40 : memref<32x1024xf32, #tpu.memory_space<hbm>>)
      tpu.yield
    }) : () -> ()
    %add3A_17 = arith.constant 64 : i32
    %add3A_18 = arith.addi %mul3A_2, %add3A_17 : i32
    "tpu.region"() ({
      %run_scoped3A = tpu.sem_alloc : memref<!tpu.dma_semaphore, #tpu.memory_space<semaphore_mem>>
      %dma_start3A_33 = tpu.memref_slice %arg3[%add3A_18] : memref<4096xi32, #tpu.memory_space<hbm>> -> memref<32xi32, #tpu.memory_space<hbm>>
      %dma_start3A_34 = tpu.memref_slice %arg3[%add3A_18] : memref<4096xi32, #tpu.memory_space<hbm>> -> memref<32xi32, #tpu.memory_space<hbm>>
      tpu.enqueue_dma source(%dma_start3A_34 : memref<32xi32, #tpu.memory_space<hbm>>) target(%arg5 : memref<32xi32, #tpu.memory_space<vmem>>) target_semaphore(%run_scoped3A : memref<!tpu.dma_semaphore, #tpu.memory_space<semaphore_mem>>)
      %dma_wait3A_35 = tpu.memref_slice %arg3[%add3A_18] : memref<4096xi32, #tpu.memory_space<hbm>> -> memref<32xi32, #tpu.memory_space<hbm>>
      %dma_wait3A_36 = tpu.memref_slice %arg3[%add3A_18] : memref<4096xi32, #tpu.memory_space<hbm>> -> memref<32xi32, #tpu.memory_space<hbm>>
      tpu.wait_dma2 semaphore(%run_scoped3A : memref<!tpu.dma_semaphore, #tpu.memory_space<semaphore_mem>>) src(%dma_wait3A_36 : memref<32xi32, #tpu.memory_space<hbm>>) dst(%arg5 : memref<32xi32, #tpu.memory_space<vmem>>)
      tpu.yield
    }) : () -> ()
    %dma_start3A_19 = arith.constant 0 : i32
    %dma_start3A_20 = arith.constant 0 : i32
    %dma_start3A_21 = tpu.memref_slice %arg2[%dma_start3A_19, %dma_start3A_20] : memref<6144x1024xf32, #tpu.memory_space<hbm>> -> memref<6144x1024xf32, #tpu.memory_space<hbm>>
    tpu.enqueue_indirect_dma source(%dma_start3A_21 : memref<6144x1024xf32, #tpu.memory_space<hbm>>) target(%arg6 : memref<32x1024xf32, #tpu.memory_space<vmem>>) offsets(%arg5 : memref<32xi32, #tpu.memory_space<vmem>>) semaphore(%arg7 : memref<!tpu.dma_semaphore, #tpu.memory_space<semaphore_mem>>)
    %dma_wait3A_22 = arith.constant 0 : i32
    %dma_wait3A_23 = arith.constant 0 : i32
    %dma_wait3A_24 = tpu.memref_slice %arg2[%dma_wait3A_22, %dma_wait3A_23] : memref<6144x1024xf32, #tpu.memory_space<hbm>> -> memref<6144x1024xf32, #tpu.memory_space<hbm>>
    tpu.wait_indirect_dma semaphore(%arg7 : memref<!tpu.dma_semaphore, #tpu.memory_space<semaphore_mem>>) src(%dma_wait3A_24 : memref<6144x1024xf32, #tpu.memory_space<hbm>>) dst(%arg6 : memref<32x1024xf32, #tpu.memory_space<vmem>>)
    "tpu.region"() ({
      %run_scoped3A = tpu.sem_alloc : memref<!tpu.dma_semaphore, #tpu.memory_space<semaphore_mem>>
      %dma_start3A_33 = arith.constant 0 : i32
      %dma_start3A_34 = tpu.memref_slice %arg4[%add3A_18, %dma_start3A_33] : memref<4096x1024xf32, #tpu.memory_space<hbm>> -> memref<32x1024xf32, #tpu.memory_space<hbm>>
      %dma_start3A_35 = arith.constant 0 : i32
      %dma_start3A_36 = tpu.memref_slice %arg4[%add3A_18, %dma_start3A_35] : memref<4096x1024xf32, #tpu.memory_space<hbm>> -> memref<32x1024xf32, #tpu.memory_space<hbm>>
      tpu.enqueue_dma source(%arg6 : memref<32x1024xf32, #tpu.memory_space<vmem>>) target(%dma_start3A_36 : memref<32x1024xf32, #tpu.memory_space<hbm>>) target_semaphore(%run_scoped3A : memref<!tpu.dma_semaphore, #tpu.memory_space<semaphore_mem>>)
      %dma_wait3A_37 = arith.constant 0 : i32
      %dma_wait3A_38 = tpu.memref_slice %arg4[%add3A_18, %dma_wait3A_37] : memref<4096x1024xf32, #tpu.memory_space<hbm>> -> memref<32x1024xf32, #tpu.memory_space<hbm>>
      %dma_wait3A_39 = arith.constant 0 : i32
      %dma_wait3A_40 = tpu.memref_slice %arg4[%add3A_18, %dma_wait3A_39] : memref<4096x1024xf32, #tpu.memory_space<hbm>> -> memref<32x1024xf32, #tpu.memory_space<hbm>>
      tpu.wait_dma2 semaphore(%run_scoped3A : memref<!tpu.dma_semaphore, #tpu.memory_space<semaphore_mem>>) src(%arg6 : memref<32x1024xf32, #tpu.memory_space<vmem>>) dst(%dma_wait3A_40 : memref<32x1024xf32, #tpu.memory_space<hbm>>)
      tpu.yield
    }) : () -> ()
    %add3A_25 = arith.constant 96 : i32
    %add3A_26 = arith.addi %mul3A_2, %add3A_25 : i32
    "tpu.region"() ({
      %run_scoped3A = tpu.sem_alloc : memref<!tpu.dma_semaphore, #tpu.memory_space<semaphore_mem>>
      %dma_start3A_33 = tpu.memref_slice %arg3[%add3A_26] : memref<4096xi32, #tpu.memory_space<hbm>> -> memref<32xi32, #tpu.memory_space<hbm>>
      %dma_start3A_34 = tpu.memref_slice %arg3[%add3A_26] : memref<4096xi32, #tpu.memory_space<hbm>> -> memref<32xi32, #tpu.memory_space<hbm>>
      tpu.enqueue_dma source(%dma_start3A_34 : memref<32xi32, #tpu.memory_space<hbm>>) target(%arg5 : memref<32xi32, #tpu.memory_space<vmem>>) target_semaphore(%run_scoped3A : memref<!tpu.dma_semaphore, #tpu.memory_space<semaphore_mem>>)
      %dma_wait3A_35 = tpu.memref_slice %arg3[%add3A_26] : memref<4096xi32, #tpu.memory_space<hbm>> -> memref<32xi32, #tpu.memory_space<hbm>>
      %dma_wait3A_36 = tpu.memref_slice %arg3[%add3A_26] : memref<4096xi32, #tpu.memory_space<hbm>> -> memref<32xi32, #tpu.memory_space<hbm>>
      tpu.wait_dma2 semaphore(%run_scoped3A : memref<!tpu.dma_semaphore, #tpu.memory_space<semaphore_mem>>) src(%dma_wait3A_36 : memref<32xi32, #tpu.memory_space<hbm>>) dst(%arg5 : memref<32xi32, #tpu.memory_space<vmem>>)
      tpu.yield
    }) : () -> ()
    %dma_start3A_27 = arith.constant 0 : i32
    %dma_start3A_28 = arith.constant 0 : i32
    %dma_start3A_29 = tpu.memref_slice %arg2[%dma_start3A_27, %dma_start3A_28] : memref<6144x1024xf32, #tpu.memory_space<hbm>> -> memref<6144x1024xf32, #tpu.memory_space<hbm>>
    tpu.enqueue_indirect_dma source(%dma_start3A_29 : memref<6144x1024xf32, #tpu.memory_space<hbm>>) target(%arg6 : memref<32x1024xf32, #tpu.memory_space<vmem>>) offsets(%arg5 : memref<32xi32, #tpu.memory_space<vmem>>) semaphore(%arg7 : memref<!tpu.dma_semaphore, #tpu.memory_space<semaphore_mem>>)
    %dma_wait3A_30 = arith.constant 0 : i32
    %dma_wait3A_31 = arith.constant 0 : i32
    %dma_wait3A_32 = tpu.memref_slice %arg2[%dma_wait3A_30, %dma_wait3A_31] : memref<6144x1024xf32, #tpu.memory_space<hbm>> -> memref<6144x1024xf32, #tpu.memory_space<hbm>>
    tpu.wait_indirect_dma semaphore(%arg7 : memref<!tpu.dma_semaphore, #tpu.memory_space<semaphore_mem>>) src(%dma_wait3A_32 : memref<6144x1024xf32, #tpu.memory_space<hbm>>) dst(%arg6 : memref<32x1024xf32, #tpu.memory_space<vmem>>)
    "tpu.region"() ({
      %run_scoped3A = tpu.sem_alloc : memref<!tpu.dma_semaphore, #tpu.memory_space<semaphore_mem>>
      %dma_start3A_33 = arith.constant 0 : i32
      %dma_start3A_34 = tpu.memref_slice %arg4[%add3A_26, %dma_start3A_33] : memref<4096x1024xf32, #tpu.memory_space<hbm>> -> memref<32x1024xf32, #tpu.memory_space<hbm>>
      %dma_start3A_35 = arith.constant 0 : i32
      %dma_start3A_36 = tpu.memref_slice %arg4[%add3A_26, %dma_start3A_35] : memref<4096x1024xf32, #tpu.memory_space<hbm>> -> memref<32x1024xf32, #tpu.memory_space<hbm>>
      tpu.enqueue_dma source(%arg6 : memref<32x1024xf32, #tpu.memory_space<vmem>>) target(%dma_start3A_36 : memref<32x1024xf32, #tpu.memory_space<hbm>>) target_semaphore(%run_scoped3A : memref<!tpu.dma_semaphore, #tpu.memory_space<semaphore_mem>>)
      %dma_wait3A_37 = arith.constant 0 : i32
      %dma_wait3A_38 = tpu.memref_slice %arg4[%add3A_26, %dma_wait3A_37] : memref<4096x1024xf32, #tpu.memory_space<hbm>> -> memref<32x1024xf32, #tpu.memory_space<hbm>>
      %dma_wait3A_39 = arith.constant 0 : i32
      %dma_wait3A_40 = tpu.memref_slice %arg4[%add3A_26, %dma_wait3A_39] : memref<4096x1024xf32, #tpu.memory_space<hbm>> -> memref<32x1024xf32, #tpu.memory_space<hbm>>
      tpu.wait_dma2 semaphore(%run_scoped3A : memref<!tpu.dma_semaphore, #tpu.memory_space<semaphore_mem>>) src(%arg6 : memref<32x1024xf32, #tpu.memory_space<vmem>>) dst(%dma_wait3A_40 : memref<32x1024xf32, #tpu.memory_space<hbm>>)
      tpu.yield
    }) : () -> ()
    return
  }
}

#map = affine_map<(d0, d1) -> (0, 0)>
#map1 = affine_map<(d0, d1) -> (0)>
module attributes {stable_mosaic.version = 14 : i64} {
  func.func @k(%arg0: i32, %arg1: i32, %arg2: memref<2048x1024xf32, #tpu.memory_space<hbm>>, %arg3: memref<4096xi32, #tpu.memory_space<hbm>>, %arg4: memref<6144x1024xf32, #tpu.memory_space<hbm>>, %arg5: memref<32xi32, #tpu.memory_space<vmem>>, %arg6: memref<32x1024xf32, #tpu.memory_space<vmem>>) attributes {dimension_semantics = [#tpu.dimension_semantics<core_parallel>, #tpu.dimension_semantics<subcore_parallel>], iteration_bounds = array<i64: 2, 16>, scalar_prefetch = 0 : i64, scratch_operands = 2 : i64, tpu.core_type = #tpu.core_type<sc_vector_subcore>, window_params = [{transform_indices = #map}, {transform_indices = #map1}, {transform_indices = #map}]} {
    %mul3A = arith.constant 2 : i32
    %mul3A_0 = arith.muli %arg1, %mul3A : i32
    %add3A = arith.addi %mul3A_0, %arg0 : i32
    %mul3A_1 = arith.constant 128 : i32
    %mul3A_2 = arith.muli %add3A, %mul3A_1 : i32
    %add3A_3 = arith.constant 0 : i32
    %add3A_4 = arith.addi %mul3A_2, %add3A_3 : i32
    %rem3A = arith.constant 2048 : i32
    %rem3A_5 = arith.remsi %add3A_4, %rem3A : i32
    "tpu.region"() ({
      %run_scoped3A = tpu.sem_alloc : memref<!tpu.dma_semaphore, #tpu.memory_space<semaphore_mem>>
      %dma_start3A = tpu.memref_slice %arg3[%add3A_4] : memref<4096xi32, #tpu.memory_space<hbm>> -> memref<32xi32, #tpu.memory_space<hbm>>
      %dma_start3A_18 = tpu.memref_slice %arg3[%add3A_4] : memref<4096xi32, #tpu.memory_space<hbm>> -> memref<32xi32, #tpu.memory_space<hbm>>
      tpu.enqueue_dma source(%dma_start3A_18 : memref<32xi32, #tpu.memory_space<hbm>>) target(%arg5 : memref<32xi32, #tpu.memory_space<vmem>>) target_semaphore(%run_scoped3A : memref<!tpu.dma_semaphore, #tpu.memory_space<semaphore_mem>>)
      %dma_wait3A = tpu.memref_slice %arg3[%add3A_4] : memref<4096xi32, #tpu.memory_space<hbm>> -> memref<32xi32, #tpu.memory_space<hbm>>
      %dma_wait3A_19 = tpu.memref_slice %arg3[%add3A_4] : memref<4096xi32, #tpu.memory_space<hbm>> -> memref<32xi32, #tpu.memory_space<hbm>>
      tpu.wait_dma2 semaphore(%run_scoped3A : memref<!tpu.dma_semaphore, #tpu.memory_space<semaphore_mem>>) src(%dma_wait3A_19 : memref<32xi32, #tpu.memory_space<hbm>>) dst(%arg5 : memref<32xi32, #tpu.memory_space<vmem>>)
      tpu.yield
    }) : () -> ()
    "tpu.region"() ({
      %run_scoped3A = tpu.sem_alloc : memref<!tpu.dma_semaphore, #tpu.memory_space<semaphore_mem>>
      %dma_start3A = arith.constant 0 : i32
      %dma_start3A_18 = tpu.memref_slice %arg2[%rem3A_5, %dma_start3A] : memref<2048x1024xf32, #tpu.memory_space<hbm>> -> memref<32x1024xf32, #tpu.memory_space<hbm>>
      %dma_start3A_19 = arith.constant 0 : i32
      %dma_start3A_20 = tpu.memref_slice %arg2[%rem3A_5, %dma_start3A_19] : memref<2048x1024xf32, #tpu.memory_space<hbm>> -> memref<32x1024xf32, #tpu.memory_space<hbm>>
      tpu.enqueue_dma source(%dma_start3A_20 : memref<32x1024xf32, #tpu.memory_space<hbm>>) target(%arg6 : memref<32x1024xf32, #tpu.memory_space<vmem>>) target_semaphore(%run_scoped3A : memref<!tpu.dma_semaphore, #tpu.memory_space<semaphore_mem>>)
      %dma_wait3A = arith.constant 0 : i32
      %dma_wait3A_21 = tpu.memref_slice %arg2[%rem3A_5, %dma_wait3A] : memref<2048x1024xf32, #tpu.memory_space<hbm>> -> memref<32x1024xf32, #tpu.memory_space<hbm>>
      %dma_wait3A_22 = arith.constant 0 : i32
      %dma_wait3A_23 = tpu.memref_slice %arg2[%rem3A_5, %dma_wait3A_22] : memref<2048x1024xf32, #tpu.memory_space<hbm>> -> memref<32x1024xf32, #tpu.memory_space<hbm>>
      tpu.wait_dma2 semaphore(%run_scoped3A : memref<!tpu.dma_semaphore, #tpu.memory_space<semaphore_mem>>) src(%dma_wait3A_23 : memref<32x1024xf32, #tpu.memory_space<hbm>>) dst(%arg6 : memref<32x1024xf32, #tpu.memory_space<vmem>>)
      tpu.yield
    }) : () -> ()
    "tpu.region"() ({
      %run_scoped3A = tpu.sem_alloc : memref<!tpu.dma_semaphore, #tpu.memory_space<semaphore_mem>>
      %dma_start3A = arith.constant 0 : i32
      %dma_start3A_18 = arith.constant 0 : i32
      %dma_start3A_19 = tpu.memref_slice %arg4[%dma_start3A, %dma_start3A_18] : memref<6144x1024xf32, #tpu.memory_space<hbm>> -> memref<6144x1024xf32, #tpu.memory_space<hbm>>
      tpu.enqueue_indirect_dma source(%arg6 : memref<32x1024xf32, #tpu.memory_space<vmem>>) target(%dma_start3A_19 : memref<6144x1024xf32, #tpu.memory_space<hbm>>) offsets(%arg5 : memref<32xi32, #tpu.memory_space<vmem>>) semaphore(%run_scoped3A : memref<!tpu.dma_semaphore, #tpu.memory_space<semaphore_mem>>)
      %dma_wait3A = arith.constant 0 : i32
      %dma_wait3A_20 = arith.constant 0 : i32
      %dma_wait3A_21 = tpu.memref_slice %arg4[%dma_wait3A, %dma_wait3A_20] : memref<6144x1024xf32, #tpu.memory_space<hbm>> -> memref<6144x1024xf32, #tpu.memory_space<hbm>>
      tpu.wait_indirect_dma semaphore(%run_scoped3A : memref<!tpu.dma_semaphore, #tpu.memory_space<semaphore_mem>>) src(%arg6 : memref<32x1024xf32, #tpu.memory_space<vmem>>) dst(%dma_wait3A_21 : memref<6144x1024xf32, #tpu.memory_space<hbm>>)
      tpu.yield
    }) : () -> ()
    %add3A_6 = arith.constant 32 : i32
    %add3A_7 = arith.addi %mul3A_2, %add3A_6 : i32
    %rem3A_8 = arith.constant 2048 : i32
    %rem3A_9 = arith.remsi %add3A_7, %rem3A_8 : i32
    "tpu.region"() ({
      %run_scoped3A = tpu.sem_alloc : memref<!tpu.dma_semaphore, #tpu.memory_space<semaphore_mem>>
      %dma_start3A = tpu.memref_slice %arg3[%add3A_7] : memref<4096xi32, #tpu.memory_space<hbm>> -> memref<32xi32, #tpu.memory_space<hbm>>
      %dma_start3A_18 = tpu.memref_slice %arg3[%add3A_7] : memref<4096xi32, #tpu.memory_space<hbm>> -> memref<32xi32, #tpu.memory_space<hbm>>
      tpu.enqueue_dma source(%dma_start3A_18 : memref<32xi32, #tpu.memory_space<hbm>>) target(%arg5 : memref<32xi32, #tpu.memory_space<vmem>>) target_semaphore(%run_scoped3A : memref<!tpu.dma_semaphore, #tpu.memory_space<semaphore_mem>>)
      %dma_wait3A = tpu.memref_slice %arg3[%add3A_7] : memref<4096xi32, #tpu.memory_space<hbm>> -> memref<32xi32, #tpu.memory_space<hbm>>
      %dma_wait3A_19 = tpu.memref_slice %arg3[%add3A_7] : memref<4096xi32, #tpu.memory_space<hbm>> -> memref<32xi32, #tpu.memory_space<hbm>>
      tpu.wait_dma2 semaphore(%run_scoped3A : memref<!tpu.dma_semaphore, #tpu.memory_space<semaphore_mem>>) src(%dma_wait3A_19 : memref<32xi32, #tpu.memory_space<hbm>>) dst(%arg5 : memref<32xi32, #tpu.memory_space<vmem>>)
      tpu.yield
    }) : () -> ()
    "tpu.region"() ({
      %run_scoped3A = tpu.sem_alloc : memref<!tpu.dma_semaphore, #tpu.memory_space<semaphore_mem>>
      %dma_start3A = arith.constant 0 : i32
      %dma_start3A_18 = tpu.memref_slice %arg2[%rem3A_9, %dma_start3A] : memref<2048x1024xf32, #tpu.memory_space<hbm>> -> memref<32x1024xf32, #tpu.memory_space<hbm>>
      %dma_start3A_19 = arith.constant 0 : i32
      %dma_start3A_20 = tpu.memref_slice %arg2[%rem3A_9, %dma_start3A_19] : memref<2048x1024xf32, #tpu.memory_space<hbm>> -> memref<32x1024xf32, #tpu.memory_space<hbm>>
      tpu.enqueue_dma source(%dma_start3A_20 : memref<32x1024xf32, #tpu.memory_space<hbm>>) target(%arg6 : memref<32x1024xf32, #tpu.memory_space<vmem>>) target_semaphore(%run_scoped3A : memref<!tpu.dma_semaphore, #tpu.memory_space<semaphore_mem>>)
      %dma_wait3A = arith.constant 0 : i32
      %dma_wait3A_21 = tpu.memref_slice %arg2[%rem3A_9, %dma_wait3A] : memref<2048x1024xf32, #tpu.memory_space<hbm>> -> memref<32x1024xf32, #tpu.memory_space<hbm>>
      %dma_wait3A_22 = arith.constant 0 : i32
      %dma_wait3A_23 = tpu.memref_slice %arg2[%rem3A_9, %dma_wait3A_22] : memref<2048x1024xf32, #tpu.memory_space<hbm>> -> memref<32x1024xf32, #tpu.memory_space<hbm>>
      tpu.wait_dma2 semaphore(%run_scoped3A : memref<!tpu.dma_semaphore, #tpu.memory_space<semaphore_mem>>) src(%dma_wait3A_23 : memref<32x1024xf32, #tpu.memory_space<hbm>>) dst(%arg6 : memref<32x1024xf32, #tpu.memory_space<vmem>>)
      tpu.yield
    }) : () -> ()
    "tpu.region"() ({
      %run_scoped3A = tpu.sem_alloc : memref<!tpu.dma_semaphore, #tpu.memory_space<semaphore_mem>>
      %dma_start3A = arith.constant 0 : i32
      %dma_start3A_18 = arith.constant 0 : i32
      %dma_start3A_19 = tpu.memref_slice %arg4[%dma_start3A, %dma_start3A_18] : memref<6144x1024xf32, #tpu.memory_space<hbm>> -> memref<6144x1024xf32, #tpu.memory_space<hbm>>
      tpu.enqueue_indirect_dma source(%arg6 : memref<32x1024xf32, #tpu.memory_space<vmem>>) target(%dma_start3A_19 : memref<6144x1024xf32, #tpu.memory_space<hbm>>) offsets(%arg5 : memref<32xi32, #tpu.memory_space<vmem>>) semaphore(%run_scoped3A : memref<!tpu.dma_semaphore, #tpu.memory_space<semaphore_mem>>)
      %dma_wait3A = arith.constant 0 : i32
      %dma_wait3A_20 = arith.constant 0 : i32
      %dma_wait3A_21 = tpu.memref_slice %arg4[%dma_wait3A, %dma_wait3A_20] : memref<6144x1024xf32, #tpu.memory_space<hbm>> -> memref<6144x1024xf32, #tpu.memory_space<hbm>>
      tpu.wait_indirect_dma semaphore(%run_scoped3A : memref<!tpu.dma_semaphore, #tpu.memory_space<semaphore_mem>>) src(%arg6 : memref<32x1024xf32, #tpu.memory_space<vmem>>) dst(%dma_wait3A_21 : memref<6144x1024xf32, #tpu.memory_space<hbm>>)
      tpu.yield
    }) : () -> ()
    %add3A_10 = arith.constant 64 : i32
    %add3A_11 = arith.addi %mul3A_2, %add3A_10 : i32
    %rem3A_12 = arith.constant 2048 : i32
    %rem3A_13 = arith.remsi %add3A_11, %rem3A_12 : i32
    "tpu.region"() ({
      %run_scoped3A = tpu.sem_alloc : memref<!tpu.dma_semaphore, #tpu.memory_space<semaphore_mem>>
      %dma_start3A = tpu.memref_slice %arg3[%add3A_11] : memref<4096xi32, #tpu.memory_space<hbm>> -> memref<32xi32, #tpu.memory_space<hbm>>
      %dma_start3A_18 = tpu.memref_slice %arg3[%add3A_11] : memref<4096xi32, #tpu.memory_space<hbm>> -> memref<32xi32, #tpu.memory_space<hbm>>
      tpu.enqueue_dma source(%dma_start3A_18 : memref<32xi32, #tpu.memory_space<hbm>>) target(%arg5 : memref<32xi32, #tpu.memory_space<vmem>>) target_semaphore(%run_scoped3A : memref<!tpu.dma_semaphore, #tpu.memory_space<semaphore_mem>>)
      %dma_wait3A = tpu.memref_slice %arg3[%add3A_11] : memref<4096xi32, #tpu.memory_space<hbm>> -> memref<32xi32, #tpu.memory_space<hbm>>
      %dma_wait3A_19 = tpu.memref_slice %arg3[%add3A_11] : memref<4096xi32, #tpu.memory_space<hbm>> -> memref<32xi32, #tpu.memory_space<hbm>>
      tpu.wait_dma2 semaphore(%run_scoped3A : memref<!tpu.dma_semaphore, #tpu.memory_space<semaphore_mem>>) src(%dma_wait3A_19 : memref<32xi32, #tpu.memory_space<hbm>>) dst(%arg5 : memref<32xi32, #tpu.memory_space<vmem>>)
      tpu.yield
    }) : () -> ()
    "tpu.region"() ({
      %run_scoped3A = tpu.sem_alloc : memref<!tpu.dma_semaphore, #tpu.memory_space<semaphore_mem>>
      %dma_start3A = arith.constant 0 : i32
      %dma_start3A_18 = tpu.memref_slice %arg2[%rem3A_13, %dma_start3A] : memref<2048x1024xf32, #tpu.memory_space<hbm>> -> memref<32x1024xf32, #tpu.memory_space<hbm>>
      %dma_start3A_19 = arith.constant 0 : i32
      %dma_start3A_20 = tpu.memref_slice %arg2[%rem3A_13, %dma_start3A_19] : memref<2048x1024xf32, #tpu.memory_space<hbm>> -> memref<32x1024xf32, #tpu.memory_space<hbm>>
      tpu.enqueue_dma source(%dma_start3A_20 : memref<32x1024xf32, #tpu.memory_space<hbm>>) target(%arg6 : memref<32x1024xf32, #tpu.memory_space<vmem>>) target_semaphore(%run_scoped3A : memref<!tpu.dma_semaphore, #tpu.memory_space<semaphore_mem>>)
      %dma_wait3A = arith.constant 0 : i32
      %dma_wait3A_21 = tpu.memref_slice %arg2[%rem3A_13, %dma_wait3A] : memref<2048x1024xf32, #tpu.memory_space<hbm>> -> memref<32x1024xf32, #tpu.memory_space<hbm>>
      %dma_wait3A_22 = arith.constant 0 : i32
      %dma_wait3A_23 = tpu.memref_slice %arg2[%rem3A_13, %dma_wait3A_22] : memref<2048x1024xf32, #tpu.memory_space<hbm>> -> memref<32x1024xf32, #tpu.memory_space<hbm>>
      tpu.wait_dma2 semaphore(%run_scoped3A : memref<!tpu.dma_semaphore, #tpu.memory_space<semaphore_mem>>) src(%dma_wait3A_23 : memref<32x1024xf32, #tpu.memory_space<hbm>>) dst(%arg6 : memref<32x1024xf32, #tpu.memory_space<vmem>>)
      tpu.yield
    }) : () -> ()
    "tpu.region"() ({
      %run_scoped3A = tpu.sem_alloc : memref<!tpu.dma_semaphore, #tpu.memory_space<semaphore_mem>>
      %dma_start3A = arith.constant 0 : i32
      %dma_start3A_18 = arith.constant 0 : i32
      %dma_start3A_19 = tpu.memref_slice %arg4[%dma_start3A, %dma_start3A_18] : memref<6144x1024xf32, #tpu.memory_space<hbm>> -> memref<6144x1024xf32, #tpu.memory_space<hbm>>
      tpu.enqueue_indirect_dma source(%arg6 : memref<32x1024xf32, #tpu.memory_space<vmem>>) target(%dma_start3A_19 : memref<6144x1024xf32, #tpu.memory_space<hbm>>) offsets(%arg5 : memref<32xi32, #tpu.memory_space<vmem>>) semaphore(%run_scoped3A : memref<!tpu.dma_semaphore, #tpu.memory_space<semaphore_mem>>)
      %dma_wait3A = arith.constant 0 : i32
      %dma_wait3A_20 = arith.constant 0 : i32
      %dma_wait3A_21 = tpu.memref_slice %arg4[%dma_wait3A, %dma_wait3A_20] : memref<6144x1024xf32, #tpu.memory_space<hbm>> -> memref<6144x1024xf32, #tpu.memory_space<hbm>>
      tpu.wait_indirect_dma semaphore(%run_scoped3A : memref<!tpu.dma_semaphore, #tpu.memory_space<semaphore_mem>>) src(%arg6 : memref<32x1024xf32, #tpu.memory_space<vmem>>) dst(%dma_wait3A_21 : memref<6144x1024xf32, #tpu.memory_space<hbm>>)
      tpu.yield
    }) : () -> ()
    %add3A_14 = arith.constant 96 : i32
    %add3A_15 = arith.addi %mul3A_2, %add3A_14 : i32
    %rem3A_16 = arith.constant 2048 : i32
    %rem3A_17 = arith.remsi %add3A_15, %rem3A_16 : i32
    "tpu.region"() ({
      %run_scoped3A = tpu.sem_alloc : memref<!tpu.dma_semaphore, #tpu.memory_space<semaphore_mem>>
      %dma_start3A = tpu.memref_slice %arg3[%add3A_15] : memref<4096xi32, #tpu.memory_space<hbm>> -> memref<32xi32, #tpu.memory_space<hbm>>
      %dma_start3A_18 = tpu.memref_slice %arg3[%add3A_15] : memref<4096xi32, #tpu.memory_space<hbm>> -> memref<32xi32, #tpu.memory_space<hbm>>
      tpu.enqueue_dma source(%dma_start3A_18 : memref<32xi32, #tpu.memory_space<hbm>>) target(%arg5 : memref<32xi32, #tpu.memory_space<vmem>>) target_semaphore(%run_scoped3A : memref<!tpu.dma_semaphore, #tpu.memory_space<semaphore_mem>>)
      %dma_wait3A = tpu.memref_slice %arg3[%add3A_15] : memref<4096xi32, #tpu.memory_space<hbm>> -> memref<32xi32, #tpu.memory_space<hbm>>
      %dma_wait3A_19 = tpu.memref_slice %arg3[%add3A_15] : memref<4096xi32, #tpu.memory_space<hbm>> -> memref<32xi32, #tpu.memory_space<hbm>>
      tpu.wait_dma2 semaphore(%run_scoped3A : memref<!tpu.dma_semaphore, #tpu.memory_space<semaphore_mem>>) src(%dma_wait3A_19 : memref<32xi32, #tpu.memory_space<hbm>>) dst(%arg5 : memref<32xi32, #tpu.memory_space<vmem>>)
      tpu.yield
    }) : () -> ()
    "tpu.region"() ({
      %run_scoped3A = tpu.sem_alloc : memref<!tpu.dma_semaphore, #tpu.memory_space<semaphore_mem>>
      %dma_start3A = arith.constant 0 : i32
      %dma_start3A_18 = tpu.memref_slice %arg2[%rem3A_17, %dma_start3A] : memref<2048x1024xf32, #tpu.memory_space<hbm>> -> memref<32x1024xf32, #tpu.memory_space<hbm>>
      %dma_start3A_19 = arith.constant 0 : i32
      %dma_start3A_20 = tpu.memref_slice %arg2[%rem3A_17, %dma_start3A_19] : memref<2048x1024xf32, #tpu.memory_space<hbm>> -> memref<32x1024xf32, #tpu.memory_space<hbm>>
      tpu.enqueue_dma source(%dma_start3A_20 : memref<32x1024xf32, #tpu.memory_space<hbm>>) target(%arg6 : memref<32x1024xf32, #tpu.memory_space<vmem>>) target_semaphore(%run_scoped3A : memref<!tpu.dma_semaphore, #tpu.memory_space<semaphore_mem>>)
      %dma_wait3A = arith.constant 0 : i32
      %dma_wait3A_21 = tpu.memref_slice %arg2[%rem3A_17, %dma_wait3A] : memref<2048x1024xf32, #tpu.memory_space<hbm>> -> memref<32x1024xf32, #tpu.memory_space<hbm>>
      %dma_wait3A_22 = arith.constant 0 : i32
      %dma_wait3A_23 = tpu.memref_slice %arg2[%rem3A_17, %dma_wait3A_22] : memref<2048x1024xf32, #tpu.memory_space<hbm>> -> memref<32x1024xf32, #tpu.memory_space<hbm>>
      tpu.wait_dma2 semaphore(%run_scoped3A : memref<!tpu.dma_semaphore, #tpu.memory_space<semaphore_mem>>) src(%dma_wait3A_23 : memref<32x1024xf32, #tpu.memory_space<hbm>>) dst(%arg6 : memref<32x1024xf32, #tpu.memory_space<vmem>>)
      tpu.yield
    }) : () -> ()
    "tpu.region"() ({
      %run_scoped3A = tpu.sem_alloc : memref<!tpu.dma_semaphore, #tpu.memory_space<semaphore_mem>>
      %dma_start3A = arith.constant 0 : i32
      %dma_start3A_18 = arith.constant 0 : i32
      %dma_start3A_19 = tpu.memref_slice %arg4[%dma_start3A, %dma_start3A_18] : memref<6144x1024xf32, #tpu.memory_space<hbm>> -> memref<6144x1024xf32, #tpu.memory_space<hbm>>
      tpu.enqueue_indirect_dma source(%arg6 : memref<32x1024xf32, #tpu.memory_space<vmem>>) target(%dma_start3A_19 : memref<6144x1024xf32, #tpu.memory_space<hbm>>) offsets(%arg5 : memref<32xi32, #tpu.memory_space<vmem>>) semaphore(%run_scoped3A : memref<!tpu.dma_semaphore, #tpu.memory_space<semaphore_mem>>)
      %dma_wait3A = arith.constant 0 : i32
      %dma_wait3A_20 = arith.constant 0 : i32
      %dma_wait3A_21 = tpu.memref_slice %arg4[%dma_wait3A, %dma_wait3A_20] : memref<6144x1024xf32, #tpu.memory_space<hbm>> -> memref<6144x1024xf32, #tpu.memory_space<hbm>>
      tpu.wait_indirect_dma semaphore(%run_scoped3A : memref<!tpu.dma_semaphore, #tpu.memory_space<semaphore_mem>>) src(%arg6 : memref<32x1024xf32, #tpu.memory_space<vmem>>) dst(%dma_wait3A_21 : memref<6144x1024xf32, #tpu.memory_space<hbm>>)
      tpu.yield
    }) : () -> ()
    return
  }
}

module attributes {stable_mosaic.version = 14 : i64} {
  func.func @_shared_kernel(%arg0: i32, %arg1: memref<1024x1024xf32, #tpu.memory_space<vmem>>, %arg2: memref<1024x2048xf32, #tpu.memory_space<vmem>>, %arg3: memref<1024x1024xf32, #tpu.memory_space<vmem>>, %arg4: memref<1024x1024xf32, #tpu.memory_space<vmem>>) attributes {dimension_semantics = [#tpu.dimension_semantics<arbitrary>], iteration_bounds = array<i64: 2>, scalar_prefetch = 0 : i64, scratch_operands = 0 : i64, tpu.core_type = #tpu.core_type<tc>, window_params = [{transform_indices = @transform_0, window_bounds = array<i64: 1024, 1024>}, {pipeline_mode = #tpu.pipeline_mode<synchronous>, transform_indices = @transform_1, window_bounds = array<i64: 1024, 2048>}, {pipeline_mode = #tpu.pipeline_mode<synchronous>, transform_indices = @transform_2, window_bounds = array<i64: 1024, 1024>}, {transform_indices = @transform_3, window_bounds = array<i64: 1024, 1024>}]} {
    %get3A = arith.constant 0 : index
    %get3A_0 = arith.constant 0 : index
    %get3A_1 = vector.load %arg1[%get3A, %get3A_0] : memref<1024x1024xf32, #tpu.memory_space<vmem>>, vector<1024x1024xf32>
    %get3A_2 = arith.constant 0 : index
    %get3A_3 = arith.constant 0 : index
    %get3A_4 = vector.load %arg2[%get3A_2, %get3A_3] : memref<1024x2048xf32, #tpu.memory_space<vmem>>, vector<1024x2048xf32>
    %dot_general3A = arith.constant dense<0.000000e+00> : vector<1024x2048xf32>
    %dot_general3A_5 = tpu.matmul %get3A_1, %get3A_4, %dot_general3A {dimension_numbers = #tpu.dot_dimension_numbers<[1], [0], [0], [1], [0, 0, 1, 1], [], []>, transpose_lhs_hint = false} : vector<1024x1024xf32>, vector<1024x2048xf32>, vector<1024x2048xf32> -> vector<1024x2048xf32>
    %slice3A = vector.extract_strided_slice %dot_general3A_5 {offsets = [0, 0], sizes = [1024, 1024], strides = [1, 1]} : vector<1024x2048xf32> to vector<1024x1024xf32>
    %slice3A_6 = vector.extract_strided_slice %dot_general3A_5 {offsets = [0, 1024], sizes = [1024, 1024], strides = [1, 1]} : vector<1024x2048xf32> to vector<1024x1024xf32>
    %logistic3A = arith.negf %slice3A : vector<1024x1024xf32>
    %logistic3A_7 = math.exp %logistic3A : vector<1024x1024xf32>
    %logistic3A_8 = arith.constant 1.000000e+00 : f32
    %logistic3A_9 = vector.broadcast %logistic3A_8 : f32 to vector<1024x1024xf32>
    %logistic3A_10 = arith.addf %logistic3A_9, %logistic3A_7 : vector<1024x1024xf32>
    %logistic3A_11 = arith.divf %logistic3A_9, %logistic3A_10 : vector<1024x1024xf32>
    %mul3A = arith.mulf %slice3A, %logistic3A_11 : vector<1024x1024xf32>
    %mul3A_12 = arith.mulf %mul3A, %slice3A_6 : vector<1024x1024xf32>
    %get3A_13 = arith.constant 0 : index
    %get3A_14 = arith.constant 0 : index
    %get3A_15 = vector.load %arg3[%get3A_13, %get3A_14] : memref<1024x1024xf32, #tpu.memory_space<vmem>>, vector<1024x1024xf32>
    %dot_general3A_16 = arith.constant dense<0.000000e+00> : vector<1024x1024xf32>
    %dot_general3A_17 = tpu.matmul %mul3A_12, %get3A_15, %dot_general3A_16 {dimension_numbers = #tpu.dot_dimension_numbers<[1], [0], [0], [1], [0, 0, 1, 1], [], []>, transpose_lhs_hint = false} : vector<1024x1024xf32>, vector<1024x1024xf32>, vector<1024x1024xf32> -> vector<1024x1024xf32>
    %swap3A = arith.constant 0 : index
    %swap3A_18 = arith.constant 0 : index
    %swap3A_19 = vector.load %arg4[%swap3A, %swap3A_18] : memref<1024x1024xf32, #tpu.memory_space<vmem>>, vector<1024x1024xf32>
    tpu.vector_store %arg4[%swap3A, %swap3A_18], %dot_general3A_17 {strides = array<i32>} : memref<1024x1024xf32, #tpu.memory_space<vmem>>, vector<1024x1024xf32>,
    return
  }
  func.func @transform_0(%arg0: i32) -> (i32, i32) {
    %c0_i32 = arith.constant 0 : i32
    %c0_i32_0 = arith.constant 0 : i32
    return %arg0, %c0_i32 : i32, i32
  }
  func.func @transform_1(%arg0: i32) -> (i32, i32) {
    %c0_i32 = arith.constant 0 : i32
    %c0_i32_0 = arith.constant 0 : i32
    %c0_i32_1 = arith.constant 0 : i32
    return %c0_i32, %c0_i32_0 : i32, i32
  }
  func.func @transform_2(%arg0: i32) -> (i32, i32) {
    %c0_i32 = arith.constant 0 : i32
    %c0_i32_0 = arith.constant 0 : i32
    %c0_i32_1 = arith.constant 0 : i32
    return %c0_i32, %c0_i32_0 : i32, i32
  }
  func.func @transform_3(%arg0: i32) -> (i32, i32) {
    %c0_i32 = arith.constant 0 : i32
    %c0_i32_0 = arith.constant 0 : i32
    return %arg0, %c0_i32 : i32, i32
  }
}

module attributes {stable_mosaic.version = 14 : i64} {
  func.func @_router_kernel(%arg0: memref<2048x8xf32, #tpu.memory_space<vmem>>, %arg1: memref<2048x1xf32, #tpu.memory_space<vmem>>, %arg2: memref<2048x1xf32, #tpu.memory_space<vmem>>, %arg3: memref<4096x1xi32, #tpu.memory_space<vmem>>, %arg4: memref<24x5xi32, #tpu.memory_space<vmem>>) attributes {dimension_semantics = [], scalar_prefetch = 0 : i64, scratch_operands = 0 : i64, tpu.core_type = #tpu.core_type<tc>} {
    %get3A = arith.constant 0 : index
    %get3A_0 = arith.constant 0 : index
    %get3A_1 = vector.load %arg0[%get3A, %get3A_0] : memref<2048x8xf32, #tpu.memory_space<vmem>>, vector<2048x8xf32>
    %iota3A = tpu.iota {dimensions = array<i32: 1>} : vector<2048x8xi32>
    %reduce_max3A = arith.constant dense<0xFF800000> : vector<2048xf32>
    %reduce_max3A_2 = vector.multi_reduction <maximumf>, %get3A_1, %reduce_max3A [1] : vector<2048x8xf32> to vector<2048xf32>
    %broadcast_in_dim3A = vector.shape_cast %reduce_max3A_2 : vector<2048xf32> to vector<2048x1xf32>
    %eq3A = vector.broadcast %broadcast_in_dim3A : vector<2048x1xf32> to vector<2048x8xf32>
    %eq3A_3 = arith.cmpf oeq, %get3A_1, %eq3A : vector<2048x8xf32>
    %jit3A = arith.constant 8 : i32
    %broadcast_in_dim3A_4 = vector.broadcast %jit3A : i32 to vector<2048x8xi32>
    %select_n3A = arith.select %eq3A_3, %iota3A, %broadcast_in_dim3A_4 : vector<2048x8xi1>, vector<2048x8xi32>
    %reduce_min3A = arith.constant dense<2147483647> : vector<2048xi32>
    %reduce_min3A_5 = vector.multi_reduction <minsi>, %select_n3A, %reduce_min3A [1] : vector<2048x8xi32> to vector<2048xi32>
    %broadcast_in_dim3A_6 = vector.shape_cast %reduce_min3A_5 : vector<2048xi32> to vector<2048x1xi32>
    %eq3A_7 = vector.broadcast %broadcast_in_dim3A_6 : vector<2048x1xi32> to vector<2048x8xi32>
    %eq3A_8 = arith.cmpi eq, %iota3A, %eq3A_7 : vector<2048x8xi32>
    %jit3A_9 = arith.constant 0xFF800000 : f32
    %broadcast_in_dim3A_10 = vector.broadcast %jit3A_9 : f32 to vector<2048x8xf32>
    %select_n3A_11 = arith.select %eq3A_8, %broadcast_in_dim3A_10, %get3A_1 : vector<2048x8xi1>, vector<2048x8xf32>
    %reduce_max3A_12 = arith.constant dense<0xFF800000> : vector<2048xf32>
    %reduce_max3A_13 = vector.multi_reduction <maximumf>, %select_n3A_11, %reduce_max3A_12 [1] : vector<2048x8xf32> to vector<2048xf32>
    %broadcast_in_dim3A_14 = vector.shape_cast %reduce_max3A_13 : vector<2048xf32> to vector<2048x1xf32>
    %eq3A_15 = vector.broadcast %broadcast_in_dim3A_14 : vector<2048x1xf32> to vector<2048x8xf32>
    %eq3A_16 = arith.cmpf oeq, %select_n3A_11, %eq3A_15 : vector<2048x8xf32>
    %jit3A_17 = arith.constant 8 : i32
    %broadcast_in_dim3A_18 = vector.broadcast %jit3A_17 : i32 to vector<2048x8xi32>
    %select_n3A_19 = arith.select %eq3A_16, %iota3A, %broadcast_in_dim3A_18 : vector<2048x8xi1>, vector<2048x8xi32>
    %reduce_min3A_20 = arith.constant dense<2147483647> : vector<2048xi32>
    %reduce_min3A_21 = vector.multi_reduction <minsi>, %select_n3A_19, %reduce_min3A_20 [1] : vector<2048x8xi32> to vector<2048xi32>
    %broadcast_in_dim3A_22 = vector.shape_cast %reduce_min3A_21 : vector<2048xi32> to vector<2048x1xi32>
    %add3A = arith.addf %broadcast_in_dim3A, %broadcast_in_dim3A_14 : vector<2048x1xf32>
    %max3A = arith.constant 9.99999971E-10 : f32
    %max3A_23 = vector.broadcast %max3A : f32 to vector<2048x1xf32>
    %max3A_24 = arith.maximumf %add3A, %max3A_23 : vector<2048x1xf32>
    %div3A = arith.divf %broadcast_in_dim3A, %max3A_24 : vector<2048x1xf32>
    %swap3A = arith.constant 0 : index
    %swap3A_25 = arith.constant 0 : index
    %swap3A_26 = vector.load %arg1[%swap3A, %swap3A_25] : memref<2048x1xf32, #tpu.memory_space<vmem>>, vector<2048x1xf32>
    tpu.vector_store %arg1[%swap3A, %swap3A_25], %div3A {strides = array<i32>} : memref<2048x1xf32, #tpu.memory_space<vmem>>, vector<2048x1xf32>,
    %div3A_27 = arith.divf %broadcast_in_dim3A_14, %max3A_24 : vector<2048x1xf32>
    %swap3A_28 = arith.constant 0 : index
    %swap3A_29 = arith.constant 0 : index
    %swap3A_30 = vector.load %arg2[%swap3A_28, %swap3A_29] : memref<2048x1xf32, #tpu.memory_space<vmem>>, vector<2048x1xf32>
    tpu.vector_store %arg2[%swap3A_28, %swap3A_29], %div3A_27 {strides = array<i32>} : memref<2048x1xf32, #tpu.memory_space<vmem>>, vector<2048x1xf32>,
    %eq3A_31 = vector.broadcast %broadcast_in_dim3A_6 : vector<2048x1xi32> to vector<2048x8xi32>
    %eq3A_32 = arith.cmpi eq, %iota3A, %eq3A_31 : vector<2048x8xi32>
    %jit3A_33 = arith.constant 1.000000e+00 : f32
    %jit3A_34 = arith.constant 0.000000e+00 : f32
    %broadcast_in_dim3A_35 = vector.broadcast %jit3A_33 : f32 to vector<2048x8xf32>
    %broadcast_in_dim3A_36 = vector.broadcast %jit3A_34 : f32 to vector<2048x8xf32>
    %select_n3A_37 = arith.select %eq3A_32, %broadcast_in_dim3A_35, %broadcast_in_dim3A_36 : vector<2048x8xi1>, vector<2048x8xf32>
    %eq3A_38 = vector.broadcast %broadcast_in_dim3A_22 : vector<2048x1xi32> to vector<2048x8xi32>
    %eq3A_39 = arith.cmpi eq, %iota3A, %eq3A_38 : vector<2048x8xi32>
    %jit3A_40 = arith.constant 1.000000e+00 : f32
    %jit3A_41 = arith.constant 0.000000e+00 : f32
    %broadcast_in_dim3A_42 = vector.broadcast %jit3A_40 : f32 to vector<2048x8xf32>
    %broadcast_in_dim3A_43 = vector.broadcast %jit3A_41 : f32 to vector<2048x8xf32>
    %select_n3A_44 = arith.select %eq3A_39, %broadcast_in_dim3A_42, %broadcast_in_dim3A_43 : vector<2048x8xi1>, vector<2048x8xf32>
    %add3A_45 = arith.addf %select_n3A_37, %select_n3A_44 : vector<2048x8xf32>
    %iota3A_46 = tpu.iota {dimensions = array<i32: 0>} : vector<2048x2048xi32>
    %iota3A_47 = tpu.iota {dimensions = array<i32: 1>} : vector<2048x2048xi32>
    %le3A = arith.cmpi sle, %iota3A_47, %iota3A_46 : vector<2048x2048xi32>
    %jit3A_48 = arith.constant 1.000000e+00 : f32
    %jit3A_49 = arith.constant 0.000000e+00 : f32
    %broadcast_in_dim3A_50 = vector.broadcast %jit3A_48 : f32 to vector<2048x2048xf32>
    %broadcast_in_dim3A_51 = vector.broadcast %jit3A_49 : f32 to vector<2048x2048xf32>
    %select_n3A_52 = arith.select %le3A, %broadcast_in_dim3A_50, %broadcast_in_dim3A_51 : vector<2048x2048xi1>, vector<2048x2048xf32>
    %dot_general3A = arith.constant dense<0.000000e+00> : vector<2048x8xf32>
    %dot_general3A_53 = tpu.matmul %select_n3A_52, %add3A_45, %dot_general3A {dimension_numbers = #tpu.dot_dimension_numbers<[1], [0], [0], [1], [0, 0, 1, 1], [], []>, transpose_lhs_hint = false} : vector<2048x2048xf32>, vector<2048x8xf32>, vector<2048x8xf32> -> vector<2048x8xf32>
    %sub3A = arith.subf %dot_general3A_53, %add3A_45 : vector<2048x8xf32>
    %slice3A = vector.extract_strided_slice %dot_general3A_53 {offsets = [2047, 0], sizes = [1, 8], strides = [1, 1]} : vector<2048x8xf32> to vector<1x8xf32>
    %iota3A_54 = tpu.iota {dimensions = array<i32: 0>} : vector<8x8xi32>
    %iota3A_55 = tpu.iota {dimensions = array<i32: 1>} : vector<8x8xi32>
    %lt3A = arith.cmpi slt, %iota3A_54, %iota3A_55 : vector<8x8xi32>
    %jit3A_56 = arith.constant 1.000000e+00 : f32
    %jit3A_57 = arith.constant 0.000000e+00 : f32
    %broadcast_in_dim3A_58 = vector.broadcast %jit3A_56 : f32 to vector<8x8xf32>
    %broadcast_in_dim3A_59 = vector.broadcast %jit3A_57 : f32 to vector<8x8xf32>
    %select_n3A_60 = arith.select %lt3A, %broadcast_in_dim3A_58, %broadcast_in_dim3A_59 : vector<8x8xi1>, vector<8x8xf32>
    %mul3A = arith.constant 3.906250e-03 : f32
    %mul3A_61 = vector.broadcast %mul3A : f32 to vector<1x8xf32>
    %mul3A_62 = arith.mulf %slice3A, %mul3A_61 : vector<1x8xf32>
    %ceil3A = math.ceil %mul3A_62 : vector<1x8xf32>
    %dot_general3A_63 = arith.constant dense<0.000000e+00> : vector<1x8xf32>
    %dot_general3A_64 = tpu.matmul %ceil3A, %select_n3A_60, %dot_general3A_63 {dimension_numbers = #tpu.dot_dimension_numbers<[1], [0], [0], [1], [0, 0, 1, 1], [], []>, precision = #tpu.contract_precision<fp32>, transpose_lhs_hint = false} : vector<1x8xf32>, vector<8x8xf32>, vector<1x8xf32> -> vector<1x8xf32>
    %mul3A_65 = arith.constant 2.560000e+02 : f32
    %mul3A_66 = vector.broadcast %mul3A_65 : f32 to vector<1x8xf32>
    %mul3A_67 = arith.mulf %dot_general3A_64, %mul3A_66 : vector<1x8xf32>
    %add3A_68 = vector.broadcast %mul3A_67 : vector<1x8xf32> to vector<2048x8xf32>
    %add3A_69 = arith.addf %sub3A, %add3A_68 : vector<2048x8xf32>
    %eq3A_70 = vector.broadcast %broadcast_in_dim3A_6 : vector<2048x1xi32> to vector<2048x8xi32>
    %eq3A_71 = arith.cmpi eq, %iota3A, %eq3A_70 : vector<2048x8xi32>
    %jit3A_72 = arith.constant 0.000000e+00 : f32
    %broadcast_in_dim3A_73 = vector.broadcast %jit3A_72 : f32 to vector<2048x8xf32>
    %select_n3A_74 = arith.select %eq3A_71, %add3A_69, %broadcast_in_dim3A_73 : vector<2048x8xi1>, vector<2048x8xf32>
    %reduce_sum3A = arith.constant dense<0.000000e+00> : vector<2048xf32>
    %reduce_sum3A_75 = vector.multi_reduction <add>, %select_n3A_74, %reduce_sum3A [1] : vector<2048x8xf32> to vector<2048xf32>
    %broadcast_in_dim3A_76 = vector.shape_cast %reduce_sum3A_75 : vector<2048xf32> to vector<2048x1xf32>
    %eq3A_77 = vector.broadcast %broadcast_in_dim3A_22 : vector<2048x1xi32> to vector<2048x8xi32>
    %eq3A_78 = arith.cmpi eq, %iota3A, %eq3A_77 : vector<2048x8xi32>
    %jit3A_79 = arith.constant 0.000000e+00 : f32
    %broadcast_in_dim3A_80 = vector.broadcast %jit3A_79 : f32 to vector<2048x8xf32>
    %select_n3A_81 = arith.select %eq3A_78, %add3A_69, %broadcast_in_dim3A_80 : vector<2048x8xi1>, vector<2048x8xf32>
    %reduce_sum3A_82 = arith.constant dense<0.000000e+00> : vector<2048xf32>
    %reduce_sum3A_83 = vector.multi_reduction <add>, %select_n3A_81, %reduce_sum3A_82 [1] : vector<2048x8xf32> to vector<2048xf32>
    %broadcast_in_dim3A_84 = vector.shape_cast %reduce_sum3A_83 : vector<2048xf32> to vector<2048x1xf32>
    %convert_element_type3A = arith.fptosi %broadcast_in_dim3A_76 : vector<2048x1xf32> to vector<2048x1xi32>
    %swap3A_85 = arith.constant 0 : index
    %swap3A_86 = arith.constant 0 : index
    %swap3A_87 = vector.load %arg3[%swap3A_85, %swap3A_86] : memref<4096x1xi32, #tpu.memory_space<vmem>>, vector<2048x1xi32>
    tpu.vector_store %arg3[%swap3A_85, %swap3A_86], %convert_element_type3A {strides = array<i32>} : memref<4096x1xi32, #tpu.memory_space<vmem>>, vector<2048x1xi32>,
    %convert_element_type3A_88 = arith.fptosi %broadcast_in_dim3A_84 : vector<2048x1xf32> to vector<2048x1xi32>
    %swap3A_89 = arith.constant 2048 : index
    %swap3A_90 = arith.constant 0 : index
    %swap3A_91 = vector.load %arg3[%swap3A_89, %swap3A_90] : memref<4096x1xi32, #tpu.memory_space<vmem>>, vector<2048x1xi32>
    tpu.vector_store %arg3[%swap3A_89, %swap3A_90], %convert_element_type3A_88 {strides = array<i32>} : memref<4096x1xi32, #tpu.memory_space<vmem>>, vector<2048x1xi32>,
    %iota3A_92 = tpu.iota {dimensions = array<i32: 0>} : vector<24x1xi32>
    %convert_element_type3A_93 = arith.sitofp %iota3A_92 : vector<24x1xi32> to vector<24x1xf32>
    %le3A_94 = vector.broadcast %dot_general3A_64 : vector<1x8xf32> to vector<24x8xf32>
    %le3A_95 = vector.broadcast %convert_element_type3A_93 : vector<24x1xf32> to vector<24x8xf32>
    %le3A_96 = arith.cmpf ole, %le3A_94, %le3A_95 : vector<24x8xf32>
    %jit3A_97 = arith.constant 1.000000e+00 : f32
    %jit3A_98 = arith.constant 0.000000e+00 : f32
    %broadcast_in_dim3A_99 = vector.broadcast %jit3A_97 : f32 to vector<24x8xf32>
    %broadcast_in_dim3A_100 = vector.broadcast %jit3A_98 : f32 to vector<24x8xf32>
    %select_n3A_101 = arith.select %le3A_96, %broadcast_in_dim3A_99, %broadcast_in_dim3A_100 : vector<24x8xi1>, vector<24x8xf32>
    %reduce_sum3A_102 = arith.constant dense<0.000000e+00> : vector<24xf32>
    %reduce_sum3A_103 = vector.multi_reduction <add>, %select_n3A_101, %reduce_sum3A_102 [1] : vector<24x8xf32> to vector<24xf32>
    %broadcast_in_dim3A_104 = vector.shape_cast %reduce_sum3A_103 : vector<24xf32> to vector<24x1xf32>
    %sub3A_105 = arith.constant 1.000000e+00 : f32
    %sub3A_106 = vector.broadcast %sub3A_105 : f32 to vector<24x1xf32>
    %sub3A_107 = arith.subf %broadcast_in_dim3A_104, %sub3A_106 : vector<24x1xf32>
    %iota3A_108 = tpu.iota {dimensions = array<i32: 1>} : vector<24x8xi32>
    %convert_element_type3A_109 = arith.sitofp %iota3A_108 : vector<24x8xi32> to vector<24x8xf32>
    %eq3A_110 = vector.broadcast %sub3A_107 : vector<24x1xf32> to vector<24x8xf32>
    %eq3A_111 = arith.cmpf oeq, %convert_element_type3A_109, %eq3A_110 : vector<24x8xf32>
    %jit3A_112 = arith.constant 0.000000e+00 : f32
    %broadcast_in_dim3A_113 = vector.shape_cast %slice3A : vector<1x8xf32> to vector<1x8xf32>
    %broadcast_in_dim3A_114 = vector.broadcast %broadcast_in_dim3A_113 : vector<1x8xf32> to vector<24x8xf32>
    %broadcast_in_dim3A_115 = vector.broadcast %jit3A_112 : f32 to vector<24x8xf32>
    %select_n3A_116 = arith.select %eq3A_111, %broadcast_in_dim3A_114, %broadcast_in_dim3A_115 : vector<24x8xi1>, vector<24x8xf32>
    %reduce_sum3A_117 = arith.constant dense<0.000000e+00> : vector<24xf32>
    %reduce_sum3A_118 = vector.multi_reduction <add>, %select_n3A_116, %reduce_sum3A_117 [1] : vector<24x8xf32> to vector<24xf32>
    %broadcast_in_dim3A_119 = vector.shape_cast %reduce_sum3A_118 : vector<24xf32> to vector<24x1xf32>
    %eq3A_120 = vector.broadcast %sub3A_107 : vector<24x1xf32> to vector<24x8xf32>
    %eq3A_121 = arith.cmpf oeq, %convert_element_type3A_109, %eq3A_120 : vector<24x8xf32>
    %jit3A_122 = arith.constant 0.000000e+00 : f32
    %broadcast_in_dim3A_123 = vector.shape_cast %dot_general3A_64 : vector<1x8xf32> to vector<1x8xf32>
    %broadcast_in_dim3A_124 = vector.broadcast %broadcast_in_dim3A_123 : vector<1x8xf32> to vector<24x8xf32>
    %broadcast_in_dim3A_125 = vector.broadcast %jit3A_122 : f32 to vector<24x8xf32>
    %select_n3A_126 = arith.select %eq3A_121, %broadcast_in_dim3A_124, %broadcast_in_dim3A_125 : vector<24x8xi1>, vector<24x8xf32>
    %reduce_sum3A_127 = arith.constant dense<0.000000e+00> : vector<24xf32>
    %reduce_sum3A_128 = vector.multi_reduction <add>, %select_n3A_126, %reduce_sum3A_127 [1] : vector<24x8xf32> to vector<24xf32>
    %broadcast_in_dim3A_129 = vector.shape_cast %reduce_sum3A_128 : vector<24xf32> to vector<24x1xf32>
    %sub3A_130 = arith.subf %convert_element_type3A_93, %broadcast_in_dim3A_129 : vector<24x1xf32>
    %mul3A_131 = arith.constant 2.560000e+02 : f32
    %mul3A_132 = vector.broadcast %mul3A_131 : f32 to vector<24x1xf32>
    %mul3A_133 = arith.mulf %sub3A_130, %mul3A_132 : vector<24x1xf32>
    %sub3A_134 = arith.subf %broadcast_in_dim3A_119, %mul3A_133 : vector<24x1xf32>
    %jit3A_135 = arith.constant 0.000000e+00 : f32
    %jit3A_136 = arith.constant 2.560000e+02 : f32
    %max3A_137 = vector.broadcast %jit3A_135 : f32 to vector<24x1xf32>
    %max3A_138 = arith.maximumf %max3A_137, %sub3A_134 : vector<24x1xf32>
    %min3A = vector.broadcast %jit3A_136 : f32 to vector<24x1xf32>
    %min3A_139 = arith.minimumf %min3A, %max3A_138 : vector<24x1xf32>
    %broadcast_in_dim3A_140 = arith.constant 0.000000e+00 : f32
    %broadcast_in_dim3A_141 = vector.broadcast %broadcast_in_dim3A_140 : f32 to vector<24x1xf32>
    %broadcast_in_dim3A_142 = arith.constant 1.000000e+00 : f32
    %broadcast_in_dim3A_143 = vector.broadcast %broadcast_in_dim3A_142 : f32 to vector<24x1xf32>
    %concatenate3A = tpu.concatenate %convert_element_type3A_93, %sub3A_107, %broadcast_in_dim3A_141, %min3A_139, %broadcast_in_dim3A_143 in 1 : vector<24x1xf32>, vector<24x1xf32>, vector<24x1xf32>, vector<24x1xf32>, vector<24x1xf32> -> vector<24x5xf32>
    %convert_element_type3A_144 = arith.fptosi %concatenate3A : vector<24x5xf32> to vector<24x5xi32>
    %swap3A_145 = arith.constant 0 : index
    %swap3A_146 = arith.constant 0 : index
    %swap3A_147 = vector.load %arg4[%swap3A_145, %swap3A_146] : memref<24x5xi32, #tpu.memory_space<vmem>>, vector<24x5xi32>
    tpu.vector_store %arg4[%swap3A_145, %swap3A_146], %convert_element_type3A_144 {strides = array<i32>} : memref<24x5xi32, #tpu.memory_space<vmem>>, vector<24x5xi32>,
    return
  }
}

module attributes {stable_mosaic.version = 14 : i64} {
  func.func @_gemm_kernel(%arg0: i32, %arg1: memref<24x5xi32, #tpu.memory_space<smem>>, %arg2: memref<256x1024xf32, #tpu.memory_space<vmem>>, %arg3: memref<1x1024x2048xf32, #tpu.memory_space<vmem>>, %arg4: memref<1x1024x1024xf32, #tpu.memory_space<vmem>>, %arg5: memref<256x1024xf32, #tpu.memory_space<vmem>>) attributes {dimension_semantics = [#tpu.dimension_semantics<arbitrary>], iteration_bounds = array<i64: 24>, scalar_prefetch = 1 : i64, scratch_operands = 0 : i64, tpu.core_type = #tpu.core_type<tc>, window_params = [{transform_indices = @transform_0, window_bounds = array<i64: 256, 1024>}, {transform_indices = @transform_1, window_bounds = array<i64: 1, 1024, 2048>}, {transform_indices = @transform_2, window_bounds = array<i64: 1, 1024, 1024>}, {transform_indices = @transform_3, window_bounds = array<i64: 256, 1024>}]} {
    %get3A = arith.index_cast %arg0 : i32 to index
    %get3A_0 = arith.constant 3 : index
    %get3A_1 = memref.load %arg1[%get3A, %get3A_0] : memref<24x5xi32, #tpu.memory_space<smem>>
    %gt3A = arith.constant 0 : i32
    %gt3A_2 = arith.cmpi sgt, %get3A_1, %gt3A : i32
    %convert_element_type3A = arith.extui %gt3A_2 : i1 to i32
    %cond3A = arith.constant 0 : i32
    %cond3A_3 = arith.cmpi ne, %convert_element_type3A, %cond3A : i32
    scf.if %cond3A_3 {
      %get3A_4 = arith.constant 0 : index
      %get3A_5 = arith.constant 0 : index
      %get3A_6 = vector.load %arg2[%get3A_4, %get3A_5] : memref<256x1024xf32, #tpu.memory_space<vmem>>, vector<256x1024xf32>
      %get3A_7 = arith.constant 0 : index
      %get3A_8 = arith.constant 0 : index
      %get3A_9 = arith.constant 0 : index
      %get3A_10 = vector.load %arg3[%get3A_7, %get3A_8, %get3A_9] : memref<1x1024x2048xf32, #tpu.memory_space<vmem>>, vector<1x1024x2048xf32>
      %get3A_11 = vector.shape_cast %get3A_10 : vector<1x1024x2048xf32> to vector<1024x2048xf32>
      %dot_general3A = arith.constant dense<0.000000e+00> : vector<256x2048xf32>
      %dot_general3A_12 = tpu.matmul %get3A_6, %get3A_11, %dot_general3A {dimension_numbers = #tpu.dot_dimension_numbers<[1], [0], [0], [1], [0, 0, 1, 1], [], []>, transpose_lhs_hint = false} : vector<256x1024xf32>, vector<1024x2048xf32>, vector<256x2048xf32> -> vector<256x2048xf32>
      %slice3A = vector.extract_strided_slice %dot_general3A_12 {offsets = [0, 0], sizes = [256, 1024], strides = [1, 1]} : vector<256x2048xf32> to vector<256x1024xf32>
      %slice3A_13 = vector.extract_strided_slice %dot_general3A_12 {offsets = [0, 1024], sizes = [256, 1024], strides = [1, 1]} : vector<256x2048xf32> to vector<256x1024xf32>
      %logistic3A = arith.negf %slice3A_13 : vector<256x1024xf32>
      %logistic3A_14 = math.exp %logistic3A : vector<256x1024xf32>
      %logistic3A_15 = arith.constant 1.000000e+00 : f32
      %logistic3A_16 = vector.broadcast %logistic3A_15 : f32 to vector<256x1024xf32>
      %logistic3A_17 = arith.addf %logistic3A_16, %logistic3A_14 : vector<256x1024xf32>
      %logistic3A_18 = arith.divf %logistic3A_16, %logistic3A_17 : vector<256x1024xf32>
      %mul3A = arith.mulf %slice3A_13, %logistic3A_18 : vector<256x1024xf32>
      %mul3A_19 = arith.mulf %mul3A, %slice3A : vector<256x1024xf32>
      %get3A_20 = arith.constant 0 : index
      %get3A_21 = arith.constant 0 : index
      %get3A_22 = arith.constant 0 : index
      %get3A_23 = vector.load %arg4[%get3A_20, %get3A_21, %get3A_22] : memref<1x1024x1024xf32, #tpu.memory_space<vmem>>, vector<1x1024x1024xf32>
      %get3A_24 = vector.shape_cast %get3A_23 : vector<1x1024x1024xf32> to vector<1024x1024xf32>
      %dot_general3A_25 = arith.constant dense<0.000000e+00> : vector<256x1024xf32>
      %dot_general3A_26 = tpu.matmul %mul3A_19, %get3A_24, %dot_general3A_25 {dimension_numbers = #tpu.dot_dimension_numbers<[1], [0], [0], [1], [0, 0, 1, 1], [], []>, transpose_lhs_hint = false} : vector<256x1024xf32>, vector<1024x1024xf32>, vector<256x1024xf32> -> vector<256x1024xf32>
      %iota3A = tpu.iota {dimensions = array<i32: 0>} : vector<256x1xi32>
      %lt3A = vector.broadcast %get3A_1 : i32 to vector<256x1xi32>
      %lt3A_27 = arith.cmpi slt, %iota3A, %lt3A : vector<256x1xi32>
      %jit3A = arith.constant 0.000000e+00 : f32
      %broadcast_in_dim3A = vector.shape_cast %lt3A_27 : vector<256x1xi1> to vector<256x1xi1>
      %broadcast_in_dim3A_28 = vector.broadcast %broadcast_in_dim3A : vector<256x1xi1> to vector<256x1024xi1>
      %broadcast_in_dim3A_29 = vector.broadcast %jit3A : f32 to vector<256x1024xf32>
      %select_n3A = arith.select %broadcast_in_dim3A_28, %dot_general3A_26, %broadcast_in_dim3A_29 : vector<256x1024xi1>, vector<256x1024xf32>
      %swap3A = arith.constant 0 : index
      %swap3A_30 = arith.constant 0 : index
      %swap3A_31 = vector.load %arg5[%swap3A, %swap3A_30] : memref<256x1024xf32, #tpu.memory_space<vmem>>, vector<256x1024xf32>
      tpu.vector_store %arg5[%swap3A, %swap3A_30], %select_n3A {strides = array<i32>} : memref<256x1024xf32, #tpu.memory_space<vmem>>, vector<256x1024xf32>,
    } else {
    }
    return
  }
  func.func @transform_0(%arg0: i32, %arg1: memref<24x5xi32, #tpu.memory_space<smem>>) -> (i32, i32) {
    %get3A = arith.index_cast %arg0 : i32 to index
    %get3A_0 = arith.constant 0 : index
    %get3A_1 = memref.load %arg1[%get3A, %get3A_0] : memref<24x5xi32, #tpu.memory_space<smem>>
    %c0_i32 = arith.constant 0 : i32
    %c0_i32_2 = arith.constant 0 : i32
    return %get3A_1, %c0_i32 : i32, i32
  }
  func.func @transform_1(%arg0: i32, %arg1: memref<24x5xi32, #tpu.memory_space<smem>>) -> (i32, i32, i32) {
    %get3A = arith.index_cast %arg0 : i32 to index
    %get3A_0 = arith.constant 1 : index
    %get3A_1 = memref.load %arg1[%get3A, %get3A_0] : memref<24x5xi32, #tpu.memory_space<smem>>
    %c0_i32 = arith.constant 0 : i32
    %c0_i32_2 = arith.constant 0 : i32
    %c0_i32_3 = arith.constant 0 : i32
    return %get3A_1, %c0_i32, %c0_i32_2 : i32, i32, i32
  }
  func.func @transform_2(%arg0: i32, %arg1: memref<24x5xi32, #tpu.memory_space<smem>>) -> (i32, i32, i32) {
    %get3A = arith.index_cast %arg0 : i32 to index
    %get3A_0 = arith.constant 1 : index
    %get3A_1 = memref.load %arg1[%get3A, %get3A_0] : memref<24x5xi32, #tpu.memory_space<smem>>
    %c0_i32 = arith.constant 0 : i32
    %c0_i32_2 = arith.constant 0 : i32
    %c0_i32_3 = arith.constant 0 : i32
    return %get3A_1, %c0_i32, %c0_i32_2 : i32, i32, i32
  }
  func.func @transform_3(%arg0: i32, %arg1: memref<24x5xi32, #tpu.memory_space<smem>>) -> (i32, i32) {
    %get3A = arith.index_cast %arg0 : i32 to index
    %get3A_0 = arith.constant 0 : index
    %get3A_1 = memref.load %arg1[%get3A, %get3A_0] : memref<24x5xi32, #tpu.memory_space<smem>>
    %c0_i32 = arith.constant 0 : i32
    %c0_i32_2 = arith.constant 0 : i32
    return %get3A_1, %c0_i32 : i32, i32
  }
}

module attributes {stable_mosaic.version = 14 : i64} {
  func.func @_combine_kernel(%arg0: i32, %arg1: memref<1024x1024xf32, #tpu.memory_space<vmem>>, %arg2: memref<1024x1024xf32, #tpu.memory_space<vmem>>, %arg3: memref<1024x1024xf32, #tpu.memory_space<vmem>>, %arg4: memref<1024x1xf32, #tpu.memory_space<vmem>>, %arg5: memref<1024x1xf32, #tpu.memory_space<vmem>>, %arg6: memref<1024x1024xf32, #tpu.memory_space<vmem>>) attributes {dimension_semantics = [#tpu.dimension_semantics<arbitrary>], iteration_bounds = array<i64: 2>, scalar_prefetch = 0 : i64, scratch_operands = 0 : i64, tpu.core_type = #tpu.core_type<tc>, window_params = [{transform_indices = @transform_0, window_bounds = array<i64: 1024, 1024>}, {transform_indices = @transform_1, window_bounds = array<i64: 1024, 1024>}, {transform_indices = @transform_2, window_bounds = array<i64: 1024, 1024>}, {transform_indices = @transform_3, window_bounds = array<i64: 1024, 1>}, {transform_indices = @transform_4, window_bounds = array<i64: 1024, 1>}, {transform_indices = @transform_5, window_bounds = array<i64: 1024, 1024>}]} {
    %get3A = arith.constant 0 : index
    %get3A_0 = arith.constant 0 : index
    %get3A_1 = vector.load %arg1[%get3A, %get3A_0] : memref<1024x1024xf32, #tpu.memory_space<vmem>>, vector<1024x1024xf32>
    %get3A_2 = arith.constant 0 : index
    %get3A_3 = arith.constant 0 : index
    %get3A_4 = vector.load %arg4[%get3A_2, %get3A_3] : memref<1024x1xf32, #tpu.memory_space<vmem>>, vector<1024x1xf32>
    %get3A_5 = arith.constant 0 : index
    %get3A_6 = arith.constant 0 : index
    %get3A_7 = vector.load %arg2[%get3A_5, %get3A_6] : memref<1024x1024xf32, #tpu.memory_space<vmem>>, vector<1024x1024xf32>
    %mul3A = vector.broadcast %get3A_4 : vector<1024x1xf32> to vector<1024x1024xf32>
    %mul3A_8 = arith.mulf %mul3A, %get3A_7 : vector<1024x1024xf32>
    %add3A = arith.addf %get3A_1, %mul3A_8 : vector<1024x1024xf32>
    %get3A_9 = arith.constant 0 : index
    %get3A_10 = arith.constant 0 : index
    %get3A_11 = vector.load %arg5[%get3A_9, %get3A_10] : memref<1024x1xf32, #tpu.memory_space<vmem>>, vector<1024x1xf32>
    %get3A_12 = arith.constant 0 : index
    %get3A_13 = arith.constant 0 : index
    %get3A_14 = vector.load %arg3[%get3A_12, %get3A_13] : memref<1024x1024xf32, #tpu.memory_space<vmem>>, vector<1024x1024xf32>
    %mul3A_15 = vector.broadcast %get3A_11 : vector<1024x1xf32> to vector<1024x1024xf32>
    %mul3A_16 = arith.mulf %mul3A_15, %get3A_14 : vector<1024x1024xf32>
    %add3A_17 = arith.addf %add3A, %mul3A_16 : vector<1024x1024xf32>
    %swap3A = arith.constant 0 : index
    %swap3A_18 = arith.constant 0 : index
    %swap3A_19 = vector.load %arg6[%swap3A, %swap3A_18] : memref<1024x1024xf32, #tpu.memory_space<vmem>>, vector<1024x1024xf32>
    tpu.vector_store %arg6[%swap3A, %swap3A_18], %add3A_17 {strides = array<i32>} : memref<1024x1024xf32, #tpu.memory_space<vmem>>, vector<1024x1024xf32>,
    return
  }
  func.func @transform_0(%arg0: i32) -> (i32, i32) {
    %c0_i32 = arith.constant 0 : i32
    %c0_i32_0 = arith.constant 0 : i32
    return %arg0, %c0_i32 : i32, i32
  }
  func.func @transform_1(%arg0: i32) -> (i32, i32) {
    %c0_i32 = arith.constant 0 : i32
    %c0_i32_0 = arith.constant 0 : i32
    return %arg0, %c0_i32 : i32, i32
  }
  func.func @transform_2(%arg0: i32) -> (i32, i32) {
    %add3A = arith.constant 2 : i32
    %add3A_0 = arith.addi %arg0, %add3A : i32
    %c0_i32 = arith.constant 0 : i32
    %c0_i32_1 = arith.constant 0 : i32
    return %add3A_0, %c0_i32 : i32, i32
  }
  func.func @transform_3(%arg0: i32) -> (i32, i32) {
    %c0_i32 = arith.constant 0 : i32
    %c0_i32_0 = arith.constant 0 : i32
    return %arg0, %c0_i32 : i32, i32
  }
  func.func @transform_4(%arg0: i32) -> (i32, i32) {
    %c0_i32 = arith.constant 0 : i32
    %c0_i32_0 = arith.constant 0 : i32
    return %arg0, %c0_i32 : i32, i32
  }
  func.func @transform_5(%arg0: i32) -> (i32, i32) {
    %c0_i32 = arith.constant 0 : i32
    %c0_i32_0 = arith.constant 0 : i32
    return %arg0, %c0_i32 : i32, i32
  }
}

</mosaic_0001>

<sc_bundles>
// kernel: kernel.11.cloned.1.call-start
scs
__scs_entry_jumppad:
0x0: {  	(pc) =	sbr.rel $0x88, $3  }
0x1: {  	(tag) =	ssettag $0x0;
	lr =	simm.s32 $0x1  }
0x2: {  	[smem:$0x3F9B] =	sst lr;
	_ =	strace $0xD0000000  }
0x3: {  	_ = 	snop  }
0x4: {  	_ = 	snop  }
0x5: {  	_ = 	snop  }
0x6: {  	_ = 	snop  }
0x7: {  	_ = 	snop  }
__scs_overlays_trampoline_lowered:
0x8: {  	[smem:$0x3FAA] =	sst s0  }
0x9: {  	[smem:$0x3FAB] =	sst s1  }
0xa: {  	[smem:$0x3FAC] =	sst s2  }
0xb: {  	[smem:$0x3FAD] =	sst s3  }
0xc: {  	[smem:$0x3FAE] =	sst s4  }
0xd: {  	[smem:$0x3FAF] =	sst s5  }
0xe: {  	[smem:$0x3FB0] =	sst s6  }
0xf: {  	[smem:$0x3FB1] =	sst s7  }
0x10: {  	[smem:$0x3FB2] =	sst s8  }
0x11: {  	[smem:$0x3FB3] =	sst s9;
	s0 =	simm.s32 @!p0 $0x0  }
0x12: {  	s1 =	sld [smem:$0x3F99];
	s0 =	simm.s32 @p0 $0x1  }
0x13: {  	[smem:$0x3FB4] =	sst s0;
	s0 =	simm.s32 @!p1 $0x0  }
0x14: {  	s2 =	sld [smem:$0x3F98];
	s0 =	simm.s32 @p1 $0x1  }
0x15: {  	[smem:$0x3FB5] =	sst s0;
	s0 =	simm.s32 @!p2 $0x0  }
0x16: {  	s3 =	sld [smem:$0x3FDB];
	s0 =	simm.s32 @p2 $0x1  }
0x17: {  	s4 =	simm.s32 $0x1BF5;
	[smem:$0x3FB7] =	sst s0  }
0x18: {  	s0 =	sld [smem:$0x3F9A];
	_ =	swait.ge [sflag:s4], $0x0  }
0x19: {  	s7 =	sld [smem:$0x3F9B]  }
0x1a: {  	s8 =	sadd.s32 $0xFFFFE003, lr  }
0x1b: {  	s9 =	sadd.s32 $0xFFFFFEF7, lr;
	s5 =	simm.s32 $0xFFFFFFFF;
	p2 =	slt.u32 s8, $0xFFFFF086  }
0x1c: {  	p1 =	slt.u32 s9, $0xF7A;
	s5 =	simm.s32 @!p2 $0x0  }
0x1d: {  	s5 =	simm.s32 @p1 $0x1;
	p0 =	seq.s32 s7, s2  }
0x1e: {  	s7 =	smul.u32 @!p0 $0xF7A, s2;
	p2 =	seq.s32 @!p0 s5, $0x0  }
0x1f: {  	s9 =	smul.u32 $0xF7A, s1;
	s8 =	simm.s32 @!p0 $0x1BF5;
	p2 =	por !p2, p0  }
0x20: {  	[sflag:s8] =	ssyncset.s32 @!p0 $0xFFFFF086;
	s6 =	sadd.s32 @!p0 s3, s7;
	s7 =	simm.s32 @!p0 $0x108  }
0x21: {  	s3 =	sadd.s32 s3, s9;
	s6 =	sadd.s32 @!p0 $0x88, s6;
	s7 =	simm.s32 @p2 $0x1082  }
0x22: {  	[simem:s7], [sflag:s8] =	dma.local @!p0 [hbm:s6], $0xF7A  }
0x23: {  	s9 =	sor.u32 $0xD0000000, s2;
	s6 =	simm.s32 $0x108;
	_ =	swait.ge @!p0 [sflag:s8], $0x0  }
0x24: {  	s3 =	sadd.s32 $0x88, s3;
	s6 =	simm.s32 @!p1 $0x1082;
	[sflag:s4] =	ssyncset.s32 $0xFFFFF086  }
0x25: {  	[simem:s6], [sflag:s4] =	dma.local [hbm:s3], $0xF7A  }
0x26: {  	[smem:$0x3F9B] =	sst s1;
	(tag) =	ssettag s2;
	_ =	strace s9  }
0x27: {  	s1 =	sld [smem:$0x3FAB]  }
0x28: {  	s2 =	sld [smem:$0x3FAC]  }
0x29: {  	s4 =	sld [smem:$0x3FAE]  }
0x2a: {  	p0 =	seq.s32 s5, $0x0;
	s5 =	sld [smem:$0x3FAF]  }
0x2b: {  	s6 =	sld [smem:$0x3FB0]  }
0x2c: {  	s7 =	sld [smem:$0x3FB1]  }
0x2d: {  	s3 =	simm.s32 $0x108;
	s8 =	sld [smem:$0x3FB2]  }
0x2e: {  	s3 =	simm.s32 @!p0 $0x1082;
	s9 =	sld [smem:$0x3FB3]  }
0x2f: {  	lr =	sadd.s32 s0, s3;
	s0 =	sld [smem:$0x3FAA]  }
0x30: {  	s3 =	sld [smem:$0x3FAD]  }
0x31: {  	[smem:$0x3FB6] =	sst s10  }
0x32: {  	s10 =	sld [smem:$0x3FB4];
	_ =	sdelay $0x3  }
0x33: {  	p0 =	seq.s32 s10, $0x1;
	s10 =	sld [smem:$0x3FB6];
	_ =	sdelay $0x3  }
0x34: {  	[smem:$0x3FB6] =	sst s10  }
0x35: {  	s10 =	sld [smem:$0x3FB5];
	_ =	sdelay $0x3  }
0x36: {  	p1 =	seq.s32 s10, $0x1;
	s10 =	sld [smem:$0x3FB6];
	_ =	sdelay $0x3  }
0x37: {  	[smem:$0x3FB6] =	sst s10  }
0x38: {  	s10 =	sld [smem:$0x3FB7]  }
0x39: {  	_ = 	snop;
	(pc) =	sbr.ind lr, $3  }
0x3a: {  	_ = 	snop  }
0x3b: {  	_ = 	snop  }
0x3c: {  	p2 =	seq.s32 s10, $0x1;
	s10 =	sld [smem:$0x3FB6]  }
0x3d: {  	_ =	shalt  }
0x3e: {  	_ =	shalt  }
0x3f: {  	_ =	shalt  }
0x40: {  	_ =	shalt  }
0x41: {  	_ =	shalt  }
0x42: {  	_ =	shalt  }
0x43: {  	_ =	shalt  }
0x44: {  	_ =	shalt  }
0x45: {  	_ =	shalt  }
0x46: {  	_ =	shalt  }
0x47: {  	_ =	shalt  }
0x48: {  	_ =	shalt  }
0x49: {  	_ =	shalt  }
0x4a: {  	_ =	shalt  }
0x4b: {  	_ =	shalt  }
0x4c: {  	_ =	shalt  }
0x4d: {  	_ =	shalt  }
0x4e: {  	_ =	shalt  }
0x4f: {  	_ =	shalt  }
0x50: {  	_ =	shalt  }
0x51: {  	_ =	shalt  }
0x52: {  	_ =	shalt  }
0x53: {  	_ =	shalt  }
0x54: {  	_ =	shalt  }
0x55: {  	_ =	shalt  }
0x56: {  	_ =	shalt  }
0x57: {  	_ =	shalt  }
0x58: {  	_ =	shalt  }
0x59: {  	_ =	shalt  }
0x5a: {  	_ =	shalt  }
0x5b: {  	_ =	shalt  }
0x5c: {  	_ =	shalt  }
0x5d: {  	_ =	shalt  }
0x5e: {  	_ =	shalt  }
0x5f: {  	_ =	shalt  }
0x60: {  	_ =	shalt  }
0x61: {  	_ =	shalt  }
0x62: {  	_ =	shalt  }
0x63: {  	_ =	shalt  }
0x64: {  	_ =	shalt  }
0x65: {  	_ =	shalt  }
0x66: {  	_ =	shalt  }
0x67: {  	_ =	shalt  }
0x68: {  	_ =	shalt  }
0x69: {  	_ =	shalt  }
0x6a: {  	_ =	shalt  }
0x6b: {  	_ =	shalt  }
0x6c: {  	_ =	shalt  }
0x6d: {  	_ =	shalt  }
0x6e: {  	_ =	shalt  }
0x6f: {  	_ =	shalt  }
0x70: {  	_ =	shalt  }
0x71: {  	_ =	shalt  }
0x72: {  	_ =	shalt  }
0x73: {  	_ =	shalt  }
0x74: {  	_ =	shalt  }
0x75: {  	_ =	shalt  }
0x76: {  	_ =	shalt  }
0x77: {  	_ =	shalt  }
0x78: {  	_ =	shalt  }
0x79: {  	_ =	shalt  }
0x7a: {  	_ =	shalt  }
0x7b: {  	_ =	shalt  }
0x7c: {  	_ =	shalt  }
0x7d: {  	_ =	shalt  }
0x7e: {  	_ =	shalt  }
0x7f: {  	_ =	shalt  }
0x80: {  	_ =	shalt  }
0x81: {  	_ =	shalt  }
0x82: {  	_ =	shalt  }
0x83: {  	_ =	shalt  }
0x84: {  	_ =	shalt  }
0x85: {  	_ =	shalt  }
0x86: {  	_ =	shalt  }
0x87: {  	_ =	shalt  }
.Lfunc_end0:
.L_simem_size_0:
called_computation.1_lowered:
.L_overlay_start_0:
0x88: {  	s2 =	sld [smem:$0x3FD9]  }
0x89: {  	s3 =	sld [smem:$0x3FFE];
	_ =	sdelay $0x1  }
0x8a: {  	s1 =	srdreg.scid  }
0x8b: {  	s0 =	sand.u32 $0x1, s1  }
0x8c: {  	s17 =	sshll.u32 s0, $0xA;
	s2 =	sadd.s32 s3, s2  }
0x8d: {  	s2 =	sadd.s32 s2, s17  }
0x8e: {  	[smem:$0x3FC2] =	sst s2  }
0x8f: {  	_ = 	snop  }
0x90: {  	s2 =	sld [smem:$0x3FD0];
	(tm) =	ssettm $0x1  }
0x91: {  	s18 =	sld [smem:$0x3FFB];
	_ =	sdelay $0x3  }
0x92: {  	_ =	strace s18  }
0x93: {  	s3 =	sld [smem:$0x3FFC];
	_ =	sdelay $0x3  }
0x94: {  	_ =	strace s3  }
0x95: {  	s3 =	sld [smem:$0x3FFD];
	_ =	sdelay $0x3  }
0x96: {  	_ =	strace s3  }
0x97: {  	_ =	strace $0x8FFFFFFF  }
0x98: {  	s19 =	sld [smem:$0x3FDB];
	_ =	sdelay $0x1  }
0x99: {  	s4 =	simm.s32 $_scs_section_size  }
0x9a: {  	s5 =	simm.s32 $_size__tile_overlayer_lowered;
	s6 =	simm.s32 $_tile_overlayer_lowered  }
0x9b: {  	s22 =	simm.s32 $0x1BFF;
	s21 =	sshll.u32 s6, $0x1;
	s3 =	sadd.s32 s4, s19  }
0x9c: {  	s7 =	simm.s32 $0x0;
	s20 =	sshll.u32 s5, $0x1;
	s5 =	sadd.s32 s21, s3  }
0x9d: {  	[timem:s7], [sflag:s22] =	dma.local [hbm:s5], s20  }
0x9e: {  	_ =	swait.ge [sflag:s22], s20  }
0x9f: {  	s4 =	ssub.s32 $0x0, s20;
	[sflag:s22] =	ssyncset.done $0x0  }
0xa0: {  	[sflag:s22] =	ssyncadd.s32 s4;
	_ =	sdelay $0x1  }
0xa1: {  	s23 =	simm.s32 $0x1B8B  }
0xa2: {  	_ =	swait.ge [sflag:s23], $0x1  }
0xa3: {  	[sflag:s23] =	ssyncset.done $0x0  }
0xa4: {  	s25 =	simm.s32 $0x1B8E;
	s24 =	sld [smem:$0x3FFE];
	[sflag:s23] =	ssyncadd.s32 $0xFFFFFFFF  }
0xa5: {  	s26 =	simm.s32 $execute0_lowered;
	[smem:$0x3FD2] =	sst s25  }
0xa6: {  	s5 =	sshll.u32 s26, $0x1;
	_ =	strace $0x80000049;
	[dreg:$0x1] =	wrdreg $0xFFFFFFFF  }
0xa7: {  	s28 =	simm.s32 $_size_execute0_lowered;
	s3 =	sadd.s32 s3, s5;
	[dreg:$0x0] =	wrdreg $0x0  }
0xa8: {  	s5 =	sshll.u32 s28, $0x1;
	[dreg:$0x2] =	wrdreg s3  }
0xa9: {  	[dreg:$0x3] =	wrdreg s5  }
0xaa: {  	[dreg:$0x4] =	wrdreg $0xC0  }
0xab: {  	_ =	task [dreg:s7], $0x5FFFF  }
0xac: {  	[dreg:$0x1] =	wrdreg $0xFFFFFFFF  }
0xad: {  	[dreg:$0x0] =	wrdreg $0x60  }
0xae: {  	[dreg:$0x2] =	wrdreg s24  }
0xaf: {  	[dreg:$0x3] =	wrdreg s2  }
0xb0: {  	[dreg:$0x4] =	wrdreg $0x9  }
0xb1: {  	_ =	task.clear_ibuf [dreg:s7], $0x5FFFF;
	_ =	strace $0x90000049  }
0xb2: {  	s29 =	simm.s32 $0x9;
	_ =	strace $0x8000004B  }
0xb3: {  	_ =	swait.ge [sflag:s29], $0x1  }
0xb4: {  	[sflag:s29] =	ssyncadd.s32 $0xFFFFFFFF  }
0xb5: {  	_ =	strace $0x9000004B  }
0xb6: {  	_ =	sfence  }
0xb7: {  	s30 =	sld [smem:$0x0];
	_ =	sdelay $0x2  }
0xb8: {  	s31 =	sshll.u32 s1, $0xD;
	s1 =	sshrl.u32 s1, $0x2  }
0xb9: {  	s3 =	sand.u32 $0x4000, s31;
	s1 =	sadd.s32 s1, s30  }
0xba: {  	s0 =	sor.u32 s3, s0;
	s1 =	sshll.u32 s1, $0x11  }
0xbb: {  	s0 =	sor.u32 s1, s0  }
0xbc: {  	s0 =	sadd.s32 $0x8F2B, s0  }
0xbd: {  	[sflag:s0] =	ssyncadd.remote.s32 $0x1  }
0xbe: {  	_ =	sfence.sel $0xFFFF  }
0xbf: {  	[dreg:$0x0] =	wrdreg $0xFFFFFFFF;
	(pc) =	sbr.abs _section_cstart, $3  }
0xc0: {  	[dreg:$0x1] =	wrdreg $0xFFFFFFFF  }
0xc1: {  	_ =	task.clear_ibuf [dreg:s7], $0x2FFFF;
	_ =	strace $0x9FFFFFFF  }
0xc2: {  	(tm) =	ssettm $0x7FFFFFFF  }
0xc3: {  	_ =	shalt  }
tec
execute0_lowered:
.L_overlay_start_1:
0x0: {  	(tag) =	ssettag $0x1  }
0x1: {  	s0 =	rddreg [dreg:$0x0]  }
0x2: {  	s11 =	rddreg [dreg:$0x1]  }
0x3: {  	s3 =	srdreg.scid;
	s2 =	simm.s32 $0x0;
	s1 =	stileid.u32  }
0x4: {  	s15 =	simm.s32 $0x80;
	s16 =	simm.s32 $0x880;
	s17 =	simm.s32 $0x1080  }
0x5: {  	s18 =	simm.s32 $0x1880;
	s28 =	simm.s32 $0x6080;
	s29 =	simm.s32 $0x6880  }
0x6: {  	s30 =	simm.s32 $0x7080;
	s31 =	simm.s32 $0x7880;
	s4 =	sand.u32 $0x1, s3  }
0x7: {  	[smem:$0x7FF] =	sst s2;
	s19 =	sshll.u32 s1, $0x8;
	s3 =	sadd.s32 $0xC1400, s0  }
0x8: {  	s12 =	sadd.s32 $0x1400, s0;
	s5 =	sshll.u32 s4, $0x7;
	s4 =	ssub.s32 $0x2, s4  }
0x9: {  	_ =	strace $0x8000004A;
	s10 =	sor.u32 s5, s19;
	s6 =	sshrl.u32 s4, $0x1  }
0xa: {  	s19 =	simm.s32 $0x2080;
	s5 =	sshrl.u32 s10, $0x3;
	s13 =	ssub.s32 s4, s6  }
0xb: {  	s20 =	sshll.u32 s10, $0x7;
	s4 =	sadd.s32 $0xC1500, s0;
	s6 =	sadd.s32 $0xC1700, s0  }
0xc: {  	s21 =	sor.u32 $0x20, s10;
	s14 =	sor.u32 $0x40, s10;
	s25 =	sor.u32 $0x60, s10  }
0xd: {  	s5 =	sadd.s32 s11, s5;
	s7 =	sadd.s32 s12, s20;
	s22 =	sshrl.u32 s21, $0x3  }
0xe: {  	s23 =	sshrl.u32 s14, $0x3;
	s24 =	sshll.u32 s14, $0x7;
	s26 =	sshrl.u32 s25, $0x3  }
0xf: {  	s14 =	sshll.u32 s25, $0x7;
	s13 =	smax.u32 s13, $0x1;
	s20 =	simm.s32 $0x2880  }
0x10: {  	s25 =	simm.s32 $0x5080;
	[dreg:$0x3] =	wrdreg s5;
	s5 =	sadd.s32 $0xC1600, s0  }
0x11: {  	[dreg:$0x4] =	wrdreg s7;
	s0 =	sshll.u32 s21, $0x7;
	s7 =	sadd.s32 s11, s22  }
0x12: {  	s9 =	sadd.s32 s11, s23;
	s10 =	sadd.s32 s12, s24;
	s11 =	sadd.s32 s11, s26  }
0x13: {  	v2 =	vlaneseq.u32;
	s21 =	simm.s32 $0x3080;
	s22 =	simm.s32 $0x3880;
	s23 =	simm.s32 $0x4080  }
0x14: {  	vm0 =	vmmov $0xffff;
	v1 =	vshrl.u32 v2, $0x3;
	s24 =	simm.s32 $0x4880;
	s26 =	simm.s32 $0x5880;
	s8 =	sadd.s32 s12, s0  }
0x15: {  	v0 =	vand.u32 $0x7, v2;
	v2 =	vor.u32 $0x8, v2;
	v1 =	vmul.u32 $0x8, v1;
	s12 =	sadd.s32 s12, s14;
	s14 =	simm.s32 $0x2;
	s0 =	simm.s32 $0x1  }
.LBB2_1:
0x16: {  	s1 =	rddreg [dreg:$0x3]  }
0x17: {  	[tilespmem:s2], [sflag:$0x2] =	stream.linear.gather [hbm4b:s1+s2], $0x20, $0x38;
	[tilespmem:$0x8080] =	vst v63  }
0x18: {  	_ =	swait.ge [sflag:s14], $0x20  }
0x19: {  	[sflag:s14] =	ssyncset.done $0x0  }
0x1a: {  	[sflag:s14] =	ssyncadd.s32 $0xFFFFFFE0  }
0x1b: {  	v3 =	vld [tilespmem:$0x0];
	_ =	sdelay $0x4  }
0x1c: {  	v4 =	vshll.u32 v3, $0x3  }
0x1d: {  	v3 =	vand.u32 $0x7, v3;
	v4 =	vand.u32 $0xFFFFFFC0, v4  }
0x1e: {  	v3 =	vor.u32 v3, v4  }
0x1f: {  	v4 =	vperm.xlane v3, v0;
	_ =	sdelay $0x1  }
0x20: {  	v4 =	vadd.s32 v1, v4;
	_ =	sdelay $0x4  }
0x21: {  	[tilespmem:s15], [sflag:$0x1] =	stream.indirect_vreg.gather [hbm4b:s3+s2], $0x80, v4, vm0, $0xb8;
	[tilespmem:$0x8080] =	vst v63  }
0x22: {  	v3 =	vperm.xlane v3, v2  }
0x23: {  	[tilespmem:s16], [sflag:$0x1] =	stream.indirect_vreg.gather [hbm4b:s4+s2], $0x80, v4, vm0, $0xb8;
	[tilespmem:$0x8080] =	vst v63  }
0x24: {  	v3 =	vadd.s32 v1, v3  }
0x25: {  	[tilespmem:s17], [sflag:$0x1] =	stream.indirect_vreg.gather [hbm4b:s5+s2], $0x80, v4, vm0, $0xb8;
	[tilespmem:$0x8080] =	vst v63  }
0x26: {  	_ = 	snop  }
0x27: {  	[tilespmem:s18], [sflag:$0x1] =	stream.indirect_vreg.gather [hbm4b:s6+s2], $0x80, v4, vm0, $0xb8;
	[tilespmem:$0x8080] =	vst v63  }
0x28: {  	_ = 	snop  }
0x29: {  	[tilespmem:s19], [sflag:$0x1] =	stream.indirect_vreg.gather [hbm4b:s3+s2], $0x80, v3, vm0, $0xb8;
	[tilespmem:$0x8080] =	vst v63  }
0x2a: {  	_ = 	snop  }
0x2b: {  	[tilespmem:s20], [sflag:$0x1] =	stream.indirect_vreg.gather [hbm4b:s4+s2], $0x80, v3, vm0, $0xb8;
	[tilespmem:$0x8080] =	vst v63  }
0x2c: {  	_ = 	snop  }
0x2d: {  	[tilespmem:s21], [sflag:$0x1] =	stream.indirect_vreg.gather [hbm4b:s5+s2], $0x80, v3, vm0, $0xb8;
	[tilespmem:$0x8080] =	vst v63  }
0x2e: {  	_ = 	snop  }
0x2f: {  	[tilespmem:s22], [sflag:$0x1] =	stream.indirect_vreg.gather [hbm4b:s6+s2], $0x80, v3, vm0, $0xb8;
	[tilespmem:$0x8080] =	vst v63  }
0x30: {  	v3 =	vld [tilespmem:$0x10];
	_ =	sdelay $0x4  }
0x31: {  	v57 =	vshll.u32 v3, $0x3  }
0x32: {  	v3 =	vand.u32 $0x7, v3;
	v4 =	vand.u32 $0xFFFFFFC0, v57  }
0x33: {  	v3 =	vor.u32 v3, v4  }
0x34: {  	v4 =	vperm.xlane v3, v0;
	_ =	sdelay $0x1  }
0x35: {  	v4 =	vadd.s32 v1, v4;
	_ =	sdelay $0x4  }
0x36: {  	[tilespmem:s23], [sflag:$0x1] =	stream.indirect_vreg.gather [hbm4b:s3+s2], $0x80, v4, vm0, $0xb8;
	[tilespmem:$0x8080] =	vst v63  }
0x37: {  	v3 =	vperm.xlane v3, v2  }
0x38: {  	[tilespmem:s24], [sflag:$0x1] =	stream.indirect_vreg.gather [hbm4b:s4+s2], $0x80, v4, vm0, $0xb8;
	[tilespmem:$0x8080] =	vst v63  }
0x39: {  	v3 =	vadd.s32 v1, v3  }
0x3a: {  	[tilespmem:s25], [sflag:$0x1] =	stream.indirect_vreg.gather [hbm4b:s5+s2], $0x80, v4, vm0, $0xb8;
	[tilespmem:$0x8080] =	vst v63  }
0x3b: {  	_ = 	snop  }
0x3c: {  	[tilespmem:s26], [sflag:$0x1] =	stream.indirect_vreg.gather [hbm4b:s6+s2], $0x80, v4, vm0, $0xb8;
	[tilespmem:$0x8080] =	vst v63  }
0x3d: {  	_ = 	snop  }
0x3e: {  	[tilespmem:s28], [sflag:$0x1] =	stream.indirect_vreg.gather [hbm4b:s3+s2], $0x80, v3, vm0, $0xb8;
	[tilespmem:$0x8080] =	vst v63  }
0x3f: {  	_ = 	snop  }
0x40: {  	[tilespmem:s29], [sflag:$0x1] =	stream.indirect_vreg.gather [hbm4b:s4+s2], $0x80, v3, vm0, $0xb8;
	[tilespmem:$0x8080] =	vst v63  }
0x41: {  	_ = 	snop  }
0x42: {  	[tilespmem:s30], [sflag:$0x1] =	stream.indirect_vreg.gather [hbm4b:s5+s2], $0x80, v3, vm0, $0xb8;
	[tilespmem:$0x8080] =	vst v63  }
0x43: {  	_ = 	snop  }
0x44: {  	[tilespmem:s31], [sflag:$0x1] =	stream.indirect_vreg.gather [hbm4b:s6+s2], $0x80, v3, vm0, $0xb8;
	[tilespmem:$0x8080] =	vst v63  }
0x45: {  	_ =	swait.ge [sflag:s0], $0x8000  }
0x46: {  	[sflag:s0] =	ssyncset.done $0x0  }
0x47: {  	s1 =	rddreg [dreg:$0x4];
	[sflag:s0] =	ssyncadd.s32 $0xFFFF8000  }
0x48: {  	[hbm4b:s1+s2] =	stream.linear.scatter [tilespmem:s15], [sflag:$0x2], $0x8000, $0x38;
	[tilespmem:$0x8080] =	vst v63  }
0x49: {  	_ =	swait.ge [sflag:s14], $0x8000  }
0x4a: {  	[sflag:s14] =	ssyncset.done $0x0  }
0x4b: {  	[sflag:s14] =	ssyncadd.s32 $0xFFFF8000  }
0x4c: {  	[tilespmem:s2], [sflag:$0x2] =	stream.linear.gather [hbm4b:s7+s2], $0x20, $0x38;
	[tilespmem:$0x8080] =	vst v63  }
0x4d: {  	_ =	swait.ge [sflag:s14], $0x20  }
0x4e: {  	[sflag:s14] =	ssyncset.done $0x0  }
0x4f: {  	[sflag:s14] =	ssyncadd.s32 $0xFFFFFFE0  }
0x50: {  	v3 =	vld [tilespmem:$0x0];
	_ =	sdelay $0x4  }
0x51: {  	v58 =	vshll.u32 v3, $0x3  }
0x52: {  	v3 =	vand.u32 $0x7, v3;
	v4 =	vand.u32 $0xFFFFFFC0, v58  }
0x53: {  	v3 =	vor.u32 v3, v4  }
0x54: {  	v4 =	vperm.xlane v3, v0;
	_ =	sdelay $0x1  }
0x55: {  	v4 =	vadd.s32 v1, v4;
	_ =	sdelay $0x4  }
0x56: {  	[tilespmem:s15], [sflag:$0x1] =	stream.indirect_vreg.gather [hbm4b:s3+s2], $0x80, v4, vm0, $0xb8;
	[tilespmem:$0x8080] =	vst v63  }
0x57: {  	v3 =	vperm.xlane v3, v2  }
0x58: {  	[tilespmem:s16], [sflag:$0x1] =	stream.indirect_vreg.gather [hbm4b:s4+s2], $0x80, v4, vm0, $0xb8;
	[tilespmem:$0x8080] =	vst v63  }
0x59: {  	v3 =	vadd.s32 v1, v3  }
0x5a: {  	[tilespmem:s17], [sflag:$0x1] =	stream.indirect_vreg.gather [hbm4b:s5+s2], $0x80, v4, vm0, $0xb8;
	[tilespmem:$0x8080] =	vst v63  }
0x5b: {  	_ = 	snop  }
0x5c: {  	[tilespmem:s18], [sflag:$0x1] =	stream.indirect_vreg.gather [hbm4b:s6+s2], $0x80, v4, vm0, $0xb8;
	[tilespmem:$0x8080] =	vst v63  }
0x5d: {  	_ = 	snop  }
0x5e: {  	[tilespmem:s19], [sflag:$0x1] =	stream.indirect_vreg.gather [hbm4b:s3+s2], $0x80, v3, vm0, $0xb8;
	[tilespmem:$0x8080] =	vst v63  }
0x5f: {  	_ = 	snop  }
0x60: {  	[tilespmem:s20], [sflag:$0x1] =	stream.indirect_vreg.gather [hbm4b:s4+s2], $0x80, v3, vm0, $0xb8;
	[tilespmem:$0x8080] =	vst v63  }
0x61: {  	_ = 	snop  }
0x62: {  	[tilespmem:s21], [sflag:$0x1] =	stream.indirect_vreg.gather [hbm4b:s5+s2], $0x80, v3, vm0, $0xb8;
	[tilespmem:$0x8080] =	vst v63  }
0x63: {  	_ = 	snop  }
0x64: {  	[tilespmem:s22], [sflag:$0x1] =	stream.indirect_vreg.gather [hbm4b:s6+s2], $0x80, v3, vm0, $0xb8;
	[tilespmem:$0x8080] =	vst v63  }
0x65: {  	v3 =	vld [tilespmem:$0x10];
	_ =	sdelay $0x4  }
0x66: {  	v59 =	vshll.u32 v3, $0x3  }
0x67: {  	v3 =	vand.u32 $0x7, v3;
	v4 =	vand.u32 $0xFFFFFFC0, v59  }
0x68: {  	v3 =	vor.u32 v3, v4  }
0x69: {  	v4 =	vperm.xlane v3, v0;
	_ =	sdelay $0x1  }
0x6a: {  	v4 =	vadd.s32 v1, v4;
	_ =	sdelay $0x4  }
0x6b: {  	[tilespmem:s23], [sflag:$0x1] =	stream.indirect_vreg.gather [hbm4b:s3+s2], $0x80, v4, vm0, $0xb8;
	[tilespmem:$0x8080] =	vst v63  }
0x6c: {  	v3 =	vperm.xlane v3, v2  }
0x6d: {  	[tilespmem:s24], [sflag:$0x1] =	stream.indirect_vreg.gather [hbm4b:s4+s2], $0x80, v4, vm0, $0xb8;
	[tilespmem:$0x8080] =	vst v63  }
0x6e: {  	v3 =	vadd.s32 v1, v3  }
0x6f: {  	[tilespmem:s25], [sflag:$0x1] =	stream.indirect_vreg.gather [hbm4b:s5+s2], $0x80, v4, vm0, $0xb8;
	[tilespmem:$0x8080] =	vst v63  }
0x70: {  	_ = 	snop  }
0x71: {  	[tilespmem:s26], [sflag:$0x1] =	stream.indirect_vreg.gather [hbm4b:s6+s2], $0x80, v4, vm0, $0xb8;
	[tilespmem:$0x8080] =	vst v63  }
0x72: {  	_ = 	snop  }
0x73: {  	[tilespmem:s28], [sflag:$0x1] =	stream.indirect_vreg.gather [hbm4b:s3+s2], $0x80, v3, vm0, $0xb8;
	[tilespmem:$0x8080] =	vst v63  }
0x74: {  	_ = 	snop  }
0x75: {  	[tilespmem:s29], [sflag:$0x1] =	stream.indirect_vreg.gather [hbm4b:s4+s2], $0x80, v3, vm0, $0xb8;
	[tilespmem:$0x8080] =	vst v63  }
0x76: {  	_ = 	snop  }
0x77: {  	[tilespmem:s30], [sflag:$0x1] =	stream.indirect_vreg.gather [hbm4b:s5+s2], $0x80, v3, vm0, $0xb8;
	[tilespmem:$0x8080] =	vst v63  }
0x78: {  	_ = 	snop  }
0x79: {  	[tilespmem:s31], [sflag:$0x1] =	stream.indirect_vreg.gather [hbm4b:s6+s2], $0x80, v3, vm0, $0xb8;
	[tilespmem:$0x8080] =	vst v63  }
0x7a: {  	_ =	swait.ge [sflag:s0], $0x8000  }
0x7b: {  	[sflag:s0] =	ssyncset.done $0x0  }
0x7c: {  	[sflag:s0] =	ssyncadd.s32 $0xFFFF8000  }
0x7d: {  	[hbm4b:s8+s2] =	stream.linear.scatter [tilespmem:s15], [sflag:$0x2], $0x8000, $0x38;
	[tilespmem:$0x8080] =	vst v63  }
0x7e: {  	_ =	swait.ge [sflag:s14], $0x8000  }
0x7f: {  	[sflag:s14] =	ssyncset.done $0x0  }
0x80: {  	[sflag:s14] =	ssyncadd.s32 $0xFFFF8000  }
0x81: {  	[tilespmem:s2], [sflag:$0x2] =	stream.linear.gather [hbm4b:s9+s2], $0x20, $0x38;
	[tilespmem:$0x8080] =	vst v63  }
0x82: {  	_ =	swait.ge [sflag:s14], $0x20  }
0x83: {  	[sflag:s14] =	ssyncset.done $0x0  }
0x84: {  	[sflag:s14] =	ssyncadd.s32 $0xFFFFFFE0  }
0x85: {  	v3 =	vld [tilespmem:$0x0];
	_ =	sdelay $0x4  }
0x86: {  	v60 =	vshll.u32 v3, $0x3  }
0x87: {  	v3 =	vand.u32 $0x7, v3;
	v4 =	vand.u32 $0xFFFFFFC0, v60  }
0x88: {  	v3 =	vor.u32 v3, v4  }
0x89: {  	v4 =	vperm.xlane v3, v0;
	_ =	sdelay $0x1  }
0x8a: {  	v4 =	vadd.s32 v1, v4;
	_ =	sdelay $0x4  }
0x8b: {  	[tilespmem:s15], [sflag:$0x1] =	stream.indirect_vreg.gather [hbm4b:s3+s2], $0x80, v4, vm0, $0xb8;
	[tilespmem:$0x8080] =	vst v63  }
0x8c: {  	v3 =	vperm.xlane v3, v2  }
0x8d: {  	[tilespmem:s16], [sflag:$0x1] =	stream.indirect_vreg.gather [hbm4b:s4+s2], $0x80, v4, vm0, $0xb8;
	[tilespmem:$0x8080] =	vst v63  }
0x8e: {  	v3 =	vadd.s32 v1, v3  }
0x8f: {  	[tilespmem:s17], [sflag:$0x1] =	stream.indirect_vreg.gather [hbm4b:s5+s2], $0x80, v4, vm0, $0xb8;
	[tilespmem:$0x8080] =	vst v63  }
0x90: {  	_ = 	snop  }
0x91: {  	[tilespmem:s18], [sflag:$0x1] =	stream.indirect_vreg.gather [hbm4b:s6+s2], $0x80, v4, vm0, $0xb8;
	[tilespmem:$0x8080] =	vst v63  }
0x92: {  	_ = 	snop  }
0x93: {  	[tilespmem:s19], [sflag:$0x1] =	stream.indirect_vreg.gather [hbm4b:s3+s2], $0x80, v3, vm0, $0xb8;
	[tilespmem:$0x8080] =	vst v63  }
0x94: {  	_ = 	snop  }
0x95: {  	[tilespmem:s20], [sflag:$0x1] =	stream.indirect_vreg.gather [hbm4b:s4+s2], $0x80, v3, vm0, $0xb8;
	[tilespmem:$0x8080] =	vst v63  }
0x96: {  	_ = 	snop  }
0x97: {  	[tilespmem:s21], [sflag:$0x1] =	stream.indirect_vreg.gather [hbm4b:s5+s2], $0x80, v3, vm0, $0xb8;
	[tilespmem:$0x8080] =	vst v63  }
0x98: {  	_ = 	snop  }
0x99: {  	[tilespmem:s22], [sflag:$0x1] =	stream.indirect_vreg.gather [hbm4b:s6+s2], $0x80, v3, vm0, $0xb8;
	[tilespmem:$0x8080] =	vst v63  }
0x9a: {  	v3 =	vld [tilespmem:$0x10];
	_ =	sdelay $0x4  }
0x9b: {  	v61 =	vshll.u32 v3, $0x3  }
0x9c: {  	v3 =	vand.u32 $0x7, v3;
	v4 =	vand.u32 $0xFFFFFFC0, v61  }
0x9d: {  	v3 =	vor.u32 v3, v4  }
0x9e: {  	v4 =	vperm.xlane v3, v0;
	_ =	sdelay $0x1  }
0x9f: {  	v4 =	vadd.s32 v1, v4;
	_ =	sdelay $0x4  }
0xa0: {  	[tilespmem:s23], [sflag:$0x1] =	stream.indirect_vreg.gather [hbm4b:s3+s2], $0x80, v4, vm0, $0xb8;
	[tilespmem:$0x8080] =	vst v63  }
0xa1: {  	v3 =	vperm.xlane v3, v2  }
0xa2: {  	[tilespmem:s24], [sflag:$0x1] =	stream.indirect_vreg.gather [hbm4b:s4+s2], $0x80, v4, vm0, $0xb8;
	[tilespmem:$0x8080] =	vst v63  }
0xa3: {  	v3 =	vadd.s32 v1, v3  }
0xa4: {  	[tilespmem:s25], [sflag:$0x1] =	stream.indirect_vreg.gather [hbm4b:s5+s2], $0x80, v4, vm0, $0xb8;
	[tilespmem:$0x8080] =	vst v63  }
0xa5: {  	_ = 	snop  }
0xa6: {  	[tilespmem:s26], [sflag:$0x1] =	stream.indirect_vreg.gather [hbm4b:s6+s2], $0x80, v4, vm0, $0xb8;
	[tilespmem:$0x8080] =	vst v63  }
0xa7: {  	_ = 	snop  }
0xa8: {  	[tilespmem:s28], [sflag:$0x1] =	stream.indirect_vreg.gather [hbm4b:s3+s2], $0x80, v3, vm0, $0xb8;
	[tilespmem:$0x8080] =	vst v63  }
0xa9: {  	_ = 	snop  }
0xaa: {  	[tilespmem:s29], [sflag:$0x1] =	stream.indirect_vreg.gather [hbm4b:s4+s2], $0x80, v3, vm0, $0xb8;
	[tilespmem:$0x8080] =	vst v63  }
0xab: {  	_ = 	snop  }
0xac: {  	[tilespmem:s30], [sflag:$0x1] =	stream.indirect_vreg.gather [hbm4b:s5+s2], $0x80, v3, vm0, $0xb8;
	[tilespmem:$0x8080] =	vst v63  }
0xad: {  	_ = 	snop  }
0xae: {  	[tilespmem:s31], [sflag:$0x1] =	stream.indirect_vreg.gather [hbm4b:s6+s2], $0x80, v3, vm0, $0xb8;
	[tilespmem:$0x8080] =	vst v63  }
0xaf: {  	_ =	swait.ge [sflag:s0], $0x8000  }
0xb0: {  	[sflag:s0] =	ssyncset.done $0x0  }
0xb1: {  	[sflag:s0] =	ssyncadd.s32 $0xFFFF8000  }
0xb2: {  	[hbm4b:s10+s2] =	stream.linear.scatter [tilespmem:s15], [sflag:$0x2], $0x8000, $0x38;
	[tilespmem:$0x8080] =	vst v63  }
0xb3: {  	_ =	swait.ge [sflag:s14], $0x8000  }
0xb4: {  	[sflag:s14] =	ssyncset.done $0x0  }
0xb5: {  	[sflag:s14] =	ssyncadd.s32 $0xFFFF8000  }
0xb6: {  	[tilespmem:s2], [sflag:$0x2] =	stream.linear.gather [hbm4b:s11+s2], $0x20, $0x38;
	[tilespmem:$0x8080] =	vst v63  }
0xb7: {  	_ =	swait.ge [sflag:s14], $0x20  }
0xb8: {  	[sflag:s14] =	ssyncset.done $0x0  }
0xb9: {  	[sflag:s14] =	ssyncadd.s32 $0xFFFFFFE0  }
0xba: {  	v3 =	vld [tilespmem:$0x0];
	_ =	sdelay $0x4  }
0xbb: {  	v62 =	vshll.u32 v3, $0x3  }
0xbc: {  	v3 =	vand.u32 $0x7, v3;
	v4 =	vand.u32 $0xFFFFFFC0, v62  }
0xbd: {  	v3 =	vor.u32 v3, v4  }
0xbe: {  	v4 =	vperm.xlane v3, v0;
	_ =	sdelay $0x1  }
0xbf: {  	v4 =	vadd.s32 v1, v4;
	_ =	sdelay $0x4  }
0xc0: {  	[tilespmem:s15], [sflag:$0x1] =	stream.indirect_vreg.gather [hbm4b:s3+s2], $0x80, v4, vm0, $0xb8;
	[tilespmem:$0x8080] =	vst v63  }
0xc1: {  	v3 =	vperm.xlane v3, v2  }
0xc2: {  	[tilespmem:s16], [sflag:$0x1] =	stream.indirect_vreg.gather [hbm4b:s4+s2], $0x80, v4, vm0, $0xb8;
	[tilespmem:$0x8080] =	vst v63  }
0xc3: {  	v3 =	vadd.s32 v1, v3  }
0xc4: {  	[tilespmem:s17], [sflag:$0x1] =	stream.indirect_vreg.gather [hbm4b:s5+s2], $0x80, v4, vm0, $0xb8;
	[tilespmem:$0x8080] =	vst v63  }
0xc5: {  	_ = 	snop  }
0xc6: {  	[tilespmem:s18], [sflag:$0x1] =	stream.indirect_vreg.gather [hbm4b:s6+s2], $0x80, v4, vm0, $0xb8;
	[tilespmem:$0x8080] =	vst v63  }
0xc7: {  	_ = 	snop  }
0xc8: {  	[tilespmem:s19], [sflag:$0x1] =	stream.indirect_vreg.gather [hbm4b:s3+s2], $0x80, v3, vm0, $0xb8;
	[tilespmem:$0x8080] =	vst v63  }
0xc9: {  	_ = 	snop  }
0xca: {  	[tilespmem:s20], [sflag:$0x1] =	stream.indirect_vreg.gather [hbm4b:s4+s2], $0x80, v3, vm0, $0xb8;
	[tilespmem:$0x8080] =	vst v63  }
0xcb: {  	_ = 	snop  }
0xcc: {  	[tilespmem:s21], [sflag:$0x1] =	stream.indirect_vreg.gather [hbm4b:s5+s2], $0x80, v3, vm0, $0xb8;
	[tilespmem:$0x8080] =	vst v63  }
0xcd: {  	_ = 	snop  }
0xce: {  	[tilespmem:s22], [sflag:$0x1] =	stream.indirect_vreg.gather [hbm4b:s6+s2], $0x80, v3, vm0, $0xb8;
	[tilespmem:$0x8080] =	vst v63  }
0xcf: {  	v3 =	vld [tilespmem:$0x10];
	_ =	sdelay $0x4  }
0xd0: {  	v63 =	vshll.u32 v3, $0x3  }
0xd1: {  	v3 =	vand.u32 $0x7, v3;
	v4 =	vand.u32 $0xFFFFFFC0, v63  }
0xd2: {  	v3 =	vor.u32 v3, v4  }
0xd3: {  	v4 =	vperm.xlane v3, v0;
	_ =	sdelay $0x1  }
0xd4: {  	v4 =	vadd.s32 v1, v4;
	_ =	sdelay $0x4  }
0xd5: {  	[tilespmem:s23], [sflag:$0x1] =	stream.indirect_vreg.gather [hbm4b:s3+s2], $0x80, v4, vm0, $0xb8;
	[tilespmem:$0x8080] =	vst v63  }
0xd6: {  	v3 =	vperm.xlane v3, v2  }
0xd7: {  	[tilespmem:s24], [sflag:$0x1] =	stream.indirect_vreg.gather [hbm4b:s4+s2], $0x80, v4, vm0, $0xb8;
	[tilespmem:$0x8080] =	vst v63  }
0xd8: {  	v3 =	vadd.s32 v1, v3  }
0xd9: {  	[tilespmem:s25], [sflag:$0x1] =	stream.indirect_vreg.gather [hbm4b:s5+s2], $0x80, v4, vm0, $0xb8;
	[tilespmem:$0x8080] =	vst v63  }
0xda: {  	_ = 	snop  }
0xdb: {  	[tilespmem:s26], [sflag:$0x1] =	stream.indirect_vreg.gather [hbm4b:s6+s2], $0x80, v4, vm0, $0xb8;
	[tilespmem:$0x8080] =	vst v63  }
0xdc: {  	_ = 	snop  }
0xdd: {  	[tilespmem:s28], [sflag:$0x1] =	stream.indirect_vreg.gather [hbm4b:s3+s2], $0x80, v3, vm0, $0xb8;
	[tilespmem:$0x8080] =	vst v63  }
0xde: {  	_ = 	snop  }
0xdf: {  	[tilespmem:s29], [sflag:$0x1] =	stream.indirect_vreg.gather [hbm4b:s4+s2], $0x80, v3, vm0, $0xb8;
	[tilespmem:$0x8080] =	vst v63  }
0xe0: {  	_ = 	snop  }
0xe1: {  	[tilespmem:s30], [sflag:$0x1] =	stream.indirect_vreg.gather [hbm4b:s5+s2], $0x80, v3, vm0, $0xb8;
	[tilespmem:$0x8080] =	vst v63  }
0xe2: {  	_ = 	snop  }
0xe3: {  	[tilespmem:s31], [sflag:$0x1] =	stream.indirect_vreg.gather [hbm4b:s6+s2], $0x80, v3, vm0, $0xb8;
	[tilespmem:$0x8080] =	vst v63  }
0xe4: {  	_ =	swait.ge [sflag:s0], $0x8000  }
0xe5: {  	p0 =	sne.s32 s13, $0x1;
	[sflag:s0] =	ssyncset.done $0x0  }
.Ltmp0:
0xe6: {  	[sflag:s0] =	ssyncadd.s32 $0xFFFF8000;
	(pc) =	sbr.rel @p0 .LBB2_1-.Ltmp0, $4  }
0xe7: {  	[hbm4b:s12+s2] =	stream.linear.scatter [tilespmem:s15], [sflag:$0x2], $0x8000, $0x38;
	[tilespmem:$0x8080] =	vst v63  }
0xe8: {  	_ =	swait.ge [sflag:s14], $0x8000  }
0xe9: {  	[sflag:s14] =	ssyncset.done $0x0  }
0xea: {  	s13 =	sadd.s32 $0xFFFFFFFF, s13;
	[sflag:s14] =	ssyncadd.s32 $0xFFFF8000  }
0xeb: {  	_ =	sfence.sel $0x180000  }
0xec: {  	[bflag:$0x0] =	sbarrier.arrive $0xFFFF  }
0xed: {  	_ =	strace $0x9000004A  }
0xee: {  	s0 =	stileid.u32;
	[bflag:$0x2] =	sbarrier.arrive $0xFFFF  }
0xef: {  	p0 =	sne.s32 s0, $0x0;
	s0 =	rddreg [dreg:$0x2]  }
0xf0: {  	s0 =	sadd.s32 @!p0 $0x100000, s0  }
0xf1: {  	[sflag:s0] =	ssyncadd.tile.s32 @!p0 $0x1;
	_ =	shalt  }
.Lfunc_end2:
_tile_overlayer_lowered:
.L_overlay_start_2:
0xf2: {  	(tag) =	ssettag $0x2  }
0xf3: {  	s0 =	rddreg [dreg:$0x0];
	s2 =	stileid.u32  }
0xf4: {  	s1 =	rddreg [dreg:$0x1];
	p0 =	sne.s32 s2, $0x0  }
0xf5: {  	s3 =	rddreg [dreg:$0x2];
	[bflag:$0x3] =	sbarrier.arrive $0xFFFF;
	s2 =	simm.s32 @!p0 $0x1C02  }
0xf6: {  	[timem:s3], [sflag:s2] =	dma.local @!p0 [hbm:s0], s1  }
0xf7: {  	s0 =	simm.s32 @!p0 $0x2  }
0xf8: {  	_ =	swait.ge @!p0 [sflag:s0], s1  }
0xf9: {  	s1 =	ssub.s32 @!p0 $0x0, s1;
	[sflag:s0] =	ssyncset.done @!p0 $0x0  }
0xfa: {  	[sflag:s0] =	ssyncadd.s32 @!p0 s1  }
0xfb: {  	[bflag:$0x3] =	sbarrier.arrive $0xFFFF  }
0xfc: {  	_ =	shalt  }

// kernel: kernel.8.cloned.1.call-start
scs
__scs_entry_jumppad:
0x0: {  	(pc) =	sbr.rel $0x88, $3  }
0x1: {  	(tag) =	ssettag $0x0;
	lr =	simm.s32 $0x1  }
0x2: {  	[smem:$0x3F9B] =	sst lr;
	_ =	strace $0xD0000000  }
0x3: {  	_ = 	snop  }
0x4: {  	_ = 	snop  }
0x5: {  	_ = 	snop  }
0x6: {  	_ = 	snop  }
0x7: {  	_ = 	snop  }
__scs_overlays_trampoline_lowered:
0x8: {  	[smem:$0x3FAA] =	sst s0  }
0x9: {  	[smem:$0x3FAB] =	sst s1  }
0xa: {  	[smem:$0x3FAC] =	sst s2  }
0xb: {  	[smem:$0x3FAD] =	sst s3  }
0xc: {  	[smem:$0x3FAE] =	sst s4  }
0xd: {  	[smem:$0x3FAF] =	sst s5  }
0xe: {  	[smem:$0x3FB0] =	sst s6  }
0xf: {  	[smem:$0x3FB1] =	sst s7  }
0x10: {  	[smem:$0x3FB2] =	sst s8  }
0x11: {  	[smem:$0x3FB3] =	sst s9;
	s0 =	simm.s32 @!p0 $0x0  }
0x12: {  	s1 =	sld [smem:$0x3F99];
	s0 =	simm.s32 @p0 $0x1  }
0x13: {  	[smem:$0x3FB4] =	sst s0;
	s0 =	simm.s32 @!p1 $0x0  }
0x14: {  	s2 =	sld [smem:$0x3F98];
	s0 =	simm.s32 @p1 $0x1  }
0x15: {  	[smem:$0x3FB5] =	sst s0;
	s0 =	simm.s32 @!p2 $0x0  }
0x16: {  	s3 =	sld [smem:$0x3FDB];
	s0 =	simm.s32 @p2 $0x1  }
0x17: {  	s4 =	simm.s32 $0x1BF5;
	[smem:$0x3FB7] =	sst s0  }
0x18: {  	s0 =	sld [smem:$0x3F9A];
	_ =	swait.ge [sflag:s4], $0x0  }
0x19: {  	s7 =	sld [smem:$0x3F9B]  }
0x1a: {  	s8 =	sadd.s32 $0xFFFFE003, lr  }
0x1b: {  	s9 =	sadd.s32 $0xFFFFFEF7, lr;
	s5 =	simm.s32 $0xFFFFFFFF;
	p2 =	slt.u32 s8, $0xFFFFF086  }
0x1c: {  	p1 =	slt.u32 s9, $0xF7A;
	s5 =	simm.s32 @!p2 $0x0  }
0x1d: {  	s5 =	simm.s32 @p1 $0x1;
	p0 =	seq.s32 s7, s2  }
0x1e: {  	s7 =	smul.u32 @!p0 $0xF7A, s2;
	p2 =	seq.s32 @!p0 s5, $0x0  }
0x1f: {  	s9 =	smul.u32 $0xF7A, s1;
	s8 =	simm.s32 @!p0 $0x1BF5;
	p2 =	por !p2, p0  }
0x20: {  	[sflag:s8] =	ssyncset.s32 @!p0 $0xFFFFF086;
	s6 =	sadd.s32 @!p0 s3, s7;
	s7 =	simm.s32 @!p0 $0x108  }
0x21: {  	s3 =	sadd.s32 s3, s9;
	s6 =	sadd.s32 @!p0 $0x88, s6;
	s7 =	simm.s32 @p2 $0x1082  }
0x22: {  	[simem:s7], [sflag:s8] =	dma.local @!p0 [hbm:s6], $0xF7A  }
0x23: {  	s9 =	sor.u32 $0xD0000000, s2;
	s6 =	simm.s32 $0x108;
	_ =	swait.ge @!p0 [sflag:s8], $0x0  }
0x24: {  	s3 =	sadd.s32 $0x88, s3;
	s6 =	simm.s32 @!p1 $0x1082;
	[sflag:s4] =	ssyncset.s32 $0xFFFFF086  }
0x25: {  	[simem:s6], [sflag:s4] =	dma.local [hbm:s3], $0xF7A  }
0x26: {  	[smem:$0x3F9B] =	sst s1;
	(tag) =	ssettag s2;
	_ =	strace s9  }
0x27: {  	s1 =	sld [smem:$0x3FAB]  }
0x28: {  	s2 =	sld [smem:$0x3FAC]  }
0x29: {  	s4 =	sld [smem:$0x3FAE]  }
0x2a: {  	p0 =	seq.s32 s5, $0x0;
	s5 =	sld [smem:$0x3FAF]  }
0x2b: {  	s6 =	sld [smem:$0x3FB0]  }
0x2c: {  	s7 =	sld [smem:$0x3FB1]  }
0x2d: {  	s3 =	simm.s32 $0x108;
	s8 =	sld [smem:$0x3FB2]  }
0x2e: {  	s3 =	simm.s32 @!p0 $0x1082;
	s9 =	sld [smem:$0x3FB3]  }
0x2f: {  	lr =	sadd.s32 s0, s3;
	s0 =	sld [smem:$0x3FAA]  }
0x30: {  	s3 =	sld [smem:$0x3FAD]  }
0x31: {  	[smem:$0x3FB6] =	sst s10  }
0x32: {  	s10 =	sld [smem:$0x3FB4];
	_ =	sdelay $0x3  }
0x33: {  	p0 =	seq.s32 s10, $0x1;
	s10 =	sld [smem:$0x3FB6];
	_ =	sdelay $0x3  }
0x34: {  	[smem:$0x3FB6] =	sst s10  }
0x35: {  	s10 =	sld [smem:$0x3FB5];
	_ =	sdelay $0x3  }
0x36: {  	p1 =	seq.s32 s10, $0x1;
	s10 =	sld [smem:$0x3FB6];
	_ =	sdelay $0x3  }
0x37: {  	[smem:$0x3FB6] =	sst s10  }
0x38: {  	s10 =	sld [smem:$0x3FB7]  }
0x39: {  	_ = 	snop;
	(pc) =	sbr.ind lr, $3  }
0x3a: {  	_ = 	snop  }
0x3b: {  	_ = 	snop  }
0x3c: {  	p2 =	seq.s32 s10, $0x1;
	s10 =	sld [smem:$0x3FB6]  }
0x3d: {  	_ =	shalt  }
0x3e: {  	_ =	shalt  }
0x3f: {  	_ =	shalt  }
0x40: {  	_ =	shalt  }
0x41: {  	_ =	shalt  }
0x42: {  	_ =	shalt  }
0x43: {  	_ =	shalt  }
0x44: {  	_ =	shalt  }
0x45: {  	_ =	shalt  }
0x46: {  	_ =	shalt  }
0x47: {  	_ =	shalt  }
0x48: {  	_ =	shalt  }
0x49: {  	_ =	shalt  }
0x4a: {  	_ =	shalt  }
0x4b: {  	_ =	shalt  }
0x4c: {  	_ =	shalt  }
0x4d: {  	_ =	shalt  }
0x4e: {  	_ =	shalt  }
0x4f: {  	_ =	shalt  }
0x50: {  	_ =	shalt  }
0x51: {  	_ =	shalt  }
0x52: {  	_ =	shalt  }
0x53: {  	_ =	shalt  }
0x54: {  	_ =	shalt  }
0x55: {  	_ =	shalt  }
0x56: {  	_ =	shalt  }
0x57: {  	_ =	shalt  }
0x58: {  	_ =	shalt  }
0x59: {  	_ =	shalt  }
0x5a: {  	_ =	shalt  }
0x5b: {  	_ =	shalt  }
0x5c: {  	_ =	shalt  }
0x5d: {  	_ =	shalt  }
0x5e: {  	_ =	shalt  }
0x5f: {  	_ =	shalt  }
0x60: {  	_ =	shalt  }
0x61: {  	_ =	shalt  }
0x62: {  	_ =	shalt  }
0x63: {  	_ =	shalt  }
0x64: {  	_ =	shalt  }
0x65: {  	_ =	shalt  }
0x66: {  	_ =	shalt  }
0x67: {  	_ =	shalt  }
0x68: {  	_ =	shalt  }
0x69: {  	_ =	shalt  }
0x6a: {  	_ =	shalt  }
0x6b: {  	_ =	shalt  }
0x6c: {  	_ =	shalt  }
0x6d: {  	_ =	shalt  }
0x6e: {  	_ =	shalt  }
0x6f: {  	_ =	shalt  }
0x70: {  	_ =	shalt  }
0x71: {  	_ =	shalt  }
0x72: {  	_ =	shalt  }
0x73: {  	_ =	shalt  }
0x74: {  	_ =	shalt  }
0x75: {  	_ =	shalt  }
0x76: {  	_ =	shalt  }
0x77: {  	_ =	shalt  }
0x78: {  	_ =	shalt  }
0x79: {  	_ =	shalt  }
0x7a: {  	_ =	shalt  }
0x7b: {  	_ =	shalt  }
0x7c: {  	_ =	shalt  }
0x7d: {  	_ =	shalt  }
0x7e: {  	_ =	shalt  }
0x7f: {  	_ =	shalt  }
0x80: {  	_ =	shalt  }
0x81: {  	_ =	shalt  }
0x82: {  	_ =	shalt  }
0x83: {  	_ =	shalt  }
0x84: {  	_ =	shalt  }
0x85: {  	_ =	shalt  }
0x86: {  	_ =	shalt  }
0x87: {  	_ =	shalt  }
.Lfunc_end0:
.L_simem_size_0:
called_computation_lowered:
.L_overlay_start_0:
0x88: {  	s2 =	sld [smem:$0x3FD9]  }
0x89: {  	s3 =	sld [smem:$0x3FFE];
	_ =	sdelay $0x1  }
0x8a: {  	s1 =	srdreg.scid  }
0x8b: {  	s0 =	sand.u32 $0x1, s1  }
0x8c: {  	s17 =	sshll.u32 s0, $0xA;
	s2 =	sadd.s32 s3, s2  }
0x8d: {  	s2 =	sadd.s32 s2, s17  }
0x8e: {  	[smem:$0x3FC2] =	sst s2  }
0x8f: {  	_ = 	snop  }
0x90: {  	s2 =	sld [smem:$0x3FC9]  }
0x91: {  	s18 =	sld [smem:$0x3FD0];
	(tm) =	ssettm $0x1  }
0x92: {  	s4 =	sld [smem:$0x3FFB];
	_ =	sdelay $0x3  }
0x93: {  	_ =	strace s4  }
0x94: {  	s4 =	sld [smem:$0x3FFC];
	_ =	sdelay $0x3  }
0x95: {  	_ =	strace s4  }
0x96: {  	s4 =	sld [smem:$0x3FFD];
	_ =	sdelay $0x3  }
0x97: {  	_ =	strace s4  }
0x98: {  	_ =	strace $0x8FFFFFFF  }
0x99: {  	s19 =	sld [smem:$0x3FDB];
	_ =	sdelay $0x1  }
0x9a: {  	s5 =	simm.s32 $_scs_section_size  }
0x9b: {  	s6 =	simm.s32 $_size__tile_overlayer_lowered;
	s7 =	simm.s32 $_tile_overlayer_lowered  }
0x9c: {  	s22 =	simm.s32 $0x1BFF;
	s21 =	sshll.u32 s7, $0x1;
	s4 =	sadd.s32 s5, s19  }
0x9d: {  	s8 =	simm.s32 $0x0;
	s20 =	sshll.u32 s6, $0x1;
	s6 =	sadd.s32 s21, s4  }
0x9e: {  	[timem:s8], [sflag:s22] =	dma.local [hbm:s6], s20  }
0x9f: {  	_ =	swait.ge [sflag:s22], s20  }
0xa0: {  	s5 =	ssub.s32 $0x0, s20;
	[sflag:s22] =	ssyncset.done $0x0  }
0xa1: {  	[sflag:s22] =	ssyncadd.s32 s5;
	_ =	sdelay $0x1  }
0xa2: {  	s23 =	simm.s32 $0x1B8B  }
0xa3: {  	_ =	swait.ge [sflag:s23], $0x1  }
0xa4: {  	[sflag:s23] =	ssyncset.done $0x0  }
0xa5: {  	s25 =	simm.s32 $0x1B8E;
	s24 =	sld [smem:$0x3FFE];
	[sflag:s23] =	ssyncadd.s32 $0xFFFFFFFF  }
0xa6: {  	s26 =	simm.s32 $execute0_lowered;
	[smem:$0x3FD2] =	sst s25  }
0xa7: {  	s6 =	sshll.u32 s26, $0x1;
	_ =	strace $0x80000046;
	[dreg:$0x1] =	wrdreg $0xFFFFFFFF  }
0xa8: {  	s28 =	simm.s32 $_size_execute0_lowered;
	s4 =	sadd.s32 s4, s6;
	[dreg:$0x0] =	wrdreg $0x0  }
0xa9: {  	s6 =	sshll.u32 s28, $0x1;
	[dreg:$0x2] =	wrdreg s4  }
0xaa: {  	[dreg:$0x3] =	wrdreg s6  }
0xab: {  	[dreg:$0x4] =	wrdreg $0xC0  }
0xac: {  	_ =	task [dreg:s8], $0x5FFFF  }
0xad: {  	[dreg:$0x1] =	wrdreg $0xFFFFFFFF  }
0xae: {  	[dreg:$0x0] =	wrdreg $0x60  }
0xaf: {  	[dreg:$0x2] =	wrdreg s2  }
0xb0: {  	[dreg:$0x3] =	wrdreg s18  }
0xb1: {  	[dreg:$0x4] =	wrdreg s24  }
0xb2: {  	[dreg:$0x5] =	wrdreg $0x9  }
0xb3: {  	_ =	task.clear_ibuf [dreg:s8], $0x6FFFF;
	_ =	strace $0x90000046  }
0xb4: {  	s29 =	simm.s32 $0x9;
	_ =	strace $0x80000048  }
0xb5: {  	_ =	swait.ge [sflag:s29], $0x1  }
0xb6: {  	[sflag:s29] =	ssyncadd.s32 $0xFFFFFFFF  }
0xb7: {  	_ =	strace $0x90000048  }
0xb8: {  	_ =	sfence  }
0xb9: {  	s30 =	sld [smem:$0x0];
	_ =	sdelay $0x2  }
0xba: {  	s31 =	sshll.u32 s1, $0xD;
	s1 =	sshrl.u32 s1, $0x2  }
0xbb: {  	s3 =	sand.u32 $0x4000, s31;
	s1 =	sadd.s32 s1, s30  }
0xbc: {  	s0 =	sor.u32 s3, s0;
	s1 =	sshll.u32 s1, $0x11  }
0xbd: {  	s0 =	sor.u32 s1, s0  }
0xbe: {  	s0 =	sadd.s32 $0x8F2B, s0  }
0xbf: {  	[sflag:s0] =	ssyncadd.remote.s32 $0x1  }
0xc0: {  	_ =	sfence.sel $0xFFFF  }
0xc1: {  	[dreg:$0x0] =	wrdreg $0xFFFFFFFF;
	(pc) =	sbr.abs _section_cstart, $3  }
0xc2: {  	[dreg:$0x1] =	wrdreg $0xFFFFFFFF  }
0xc3: {  	_ =	task.clear_ibuf [dreg:s8], $0x2FFFF;
	_ =	strace $0x9FFFFFFF  }
0xc4: {  	(tm) =	ssettm $0x7FFFFFFF  }
0xc5: {  	_ =	shalt  }
tec
execute0_lowered:
.L_overlay_start_1:
0x0: {  	(tag) =	ssettag $0x1  }
0x1: {  	s0 =	rddreg [dreg:$0x0]  }
0x2: {  	s12 =	rddreg [dreg:$0x1]  }
0x3: {  	s7 =	rddreg [dreg:$0x2];
	s3 =	srdreg.scid  }
0x4: {  	s2 =	simm.s32 $0x0;
	s1 =	stileid.u32;
	s16 =	simm.s32 $0x80  }
0x5: {  	s17 =	simm.s32 $0x880;
	s18 =	simm.s32 $0x1080;
	s19 =	simm.s32 $0x1880  }
0x6: {  	s20 =	simm.s32 $0x2080;
	s21 =	simm.s32 $0x2880;
	s22 =	simm.s32 $0x3080  }
0x7: {  	s28 =	simm.s32 $0x5880;
	s29 =	simm.s32 $0x6080;
	s30 =	simm.s32 $0x6880  }
0x8: {  	s31 =	simm.s32 $0x7080;
	s4 =	sand.u32 $0x1, s3;
	[smem:$0x7FF] =	sst s2  }
0x9: {  	s5 =	sshll.u32 s1, $0x8;
	s3 =	sadd.s32 $0x1400, s7;
	s6 =	sshll.u32 s4, $0x7  }
0xa: {  	_ =	strace $0x80000047;
	s4 =	ssub.s32 $0x2, s4;
	s10 =	sor.u32 s6, s5  }
0xb: {  	s8 =	sshrl.u32 s4, $0x1;
	s5 =	sshrl.u32 s10, $0x3;
	s6 =	sshll.u32 s10, $0x7  }
0xc: {  	s14 =	ssub.s32 s4, s8;
	s23 =	sor.u32 $0x20, s10;
	s25 =	sor.u32 $0x40, s10  }
0xd: {  	s15 =	sor.u32 $0x60, s10;
	s5 =	sadd.s32 s12, s5;
	s6 =	sand.u32 $0x3C000, s6  }
0xe: {  	s9 =	sshrl.u32 s23, $0x3;
	s11 =	sshll.u32 s23, $0x7;
	s13 =	sshrl.u32 s25, $0x3  }
0xf: {  	s26 =	sshll.u32 s15, $0x7;
	s15 =	sshrl.u32 s15, $0x3;
	s14 =	smax.u32 s14, $0x1  }
0x10: {  	s23 =	simm.s32 $0x3880;
	[dreg:$0x4] =	wrdreg s5;
	s4 =	sadd.s32 s0, s6  }
0x11: {  	s5 =	sadd.s32 $0x1500, s7;
	s6 =	sadd.s32 $0x1600, s7;
	s7 =	sadd.s32 $0x1700, s7  }
0x12: {  	s8 =	sadd.s32 s12, s9;
	s24 =	sand.u32 $0x3D000, s11;
	s10 =	sadd.s32 s12, s13  }
0x13: {  	s11 =	sshll.u32 s25, $0x7;
	s13 =	sand.u32 $0x3F000, s26;
	s12 =	sadd.s32 s12, s15  }
0x14: {  	v2 =	vlaneseq.u32;
	s15 =	simm.s32 $0x1;
	s25 =	simm.s32 $0x4880;
	s26 =	simm.s32 $0x5080  }
0x15: {  	vm0 =	vmmov $0xffff;
	v1 =	vshrl.u32 v2, $0x3;
	s9 =	sadd.s32 s0, s24;
	s11 =	sand.u32 $0x3E000, s11;
	s13 =	sadd.s32 s0, s13  }
0x16: {  	v0 =	vand.u32 $0x7, v2;
	v2 =	vor.u32 $0x8, v2;
	v1 =	vmul.u32 $0x8, v1;
	s24 =	simm.s32 $0x4080;
	s11 =	sadd.s32 s0, s11;
	s0 =	simm.s32 $0x7880  }
.LBB2_1:
0x17: {  	s1 =	rddreg [dreg:$0x4]  }
0x18: {  	[tilespmem:s2], [sflag:$0x1] =	stream.linear.gather [hbm4b:s1+s2], $0x20, $0x38;
	[tilespmem:$0x8080] =	vst v63  }
0x19: {  	_ =	swait.ge [sflag:s15], $0x20  }
0x1a: {  	[sflag:s15] =	ssyncset.done $0x0  }
0x1b: {  	[sflag:s15] =	ssyncadd.s32 $0xFFFFFFE0  }
0x1c: {  	[tilespmem:s16], [sflag:$0x1] =	stream.linear.gather [hbm4b:s4+s2], $0x8000, $0x38;
	[tilespmem:$0x8080] =	vst v63  }
0x1d: {  	_ =	swait.ge [sflag:s15], $0x8000  }
0x1e: {  	[sflag:s15] =	ssyncset.done $0x0  }
0x1f: {  	[sflag:s15] =	ssyncadd.s32 $0xFFFF8000  }
0x20: {  	v3 =	vld [tilespmem:$0x0];
	_ =	sdelay $0x4  }
0x21: {  	v4 =	vshll.u32 v3, $0x3  }
0x22: {  	v3 =	vand.u32 $0x7, v3;
	v4 =	vand.u32 $0xFFFFFFC0, v4  }
0x23: {  	v3 =	vor.u32 v3, v4  }
0x24: {  	v4 =	vperm.xlane v3, v0;
	_ =	sdelay $0x1  }
0x25: {  	v4 =	vadd.s32 v1, v4;
	_ =	sdelay $0x4  }
0x26: {  	[hbm4b:s3+s2] =	stream.indirect_vreg.scatter [tilespmem:s16], [sflag:$0x1], $0x80, v4, vm0, $0xb8;
	[tilespmem:$0x8080] =	vst v63  }
0x27: {  	v3 =	vperm.xlane v3, v2  }
0x28: {  	[hbm4b:s5+s2] =	stream.indirect_vreg.scatter [tilespmem:s17], [sflag:$0x1], $0x80, v4, vm0, $0xb8;
	[tilespmem:$0x8080] =	vst v63  }
0x29: {  	v3 =	vadd.s32 v1, v3  }
0x2a: {  	[hbm4b:s6+s2] =	stream.indirect_vreg.scatter [tilespmem:s18], [sflag:$0x1], $0x80, v4, vm0, $0xb8;
	[tilespmem:$0x8080] =	vst v63  }
0x2b: {  	_ = 	snop  }
0x2c: {  	[hbm4b:s7+s2] =	stream.indirect_vreg.scatter [tilespmem:s19], [sflag:$0x1], $0x80, v4, vm0, $0xb8;
	[tilespmem:$0x8080] =	vst v63  }
0x2d: {  	_ = 	snop  }
0x2e: {  	[hbm4b:s3+s2] =	stream.indirect_vreg.scatter [tilespmem:s20], [sflag:$0x1], $0x80, v3, vm0, $0xb8;
	[tilespmem:$0x8080] =	vst v63  }
0x2f: {  	_ = 	snop  }
0x30: {  	[hbm4b:s5+s2] =	stream.indirect_vreg.scatter [tilespmem:s21], [sflag:$0x1], $0x80, v3, vm0, $0xb8;
	[tilespmem:$0x8080] =	vst v63  }
0x31: {  	_ = 	snop  }
0x32: {  	[hbm4b:s6+s2] =	stream.indirect_vreg.scatter [tilespmem:s22], [sflag:$0x1], $0x80, v3, vm0, $0xb8;
	[tilespmem:$0x8080] =	vst v63  }
0x33: {  	_ = 	snop  }
0x34: {  	[hbm4b:s7+s2] =	stream.indirect_vreg.scatter [tilespmem:s23], [sflag:$0x1], $0x80, v3, vm0, $0xb8;
	[tilespmem:$0x8080] =	vst v63  }
0x35: {  	v3 =	vld [tilespmem:$0x10];
	_ =	sdelay $0x4  }
0x36: {  	v57 =	vshll.u32 v3, $0x3  }
0x37: {  	v3 =	vand.u32 $0x7, v3;
	v4 =	vand.u32 $0xFFFFFFC0, v57  }
0x38: {  	v3 =	vor.u32 v3, v4  }
0x39: {  	v4 =	vperm.xlane v3, v0;
	_ =	sdelay $0x1  }
0x3a: {  	v4 =	vadd.s32 v1, v4;
	_ =	sdelay $0x4  }
0x3b: {  	[hbm4b:s3+s2] =	stream.indirect_vreg.scatter [tilespmem:s24], [sflag:$0x1], $0x80, v4, vm0, $0xb8;
	[tilespmem:$0x8080] =	vst v63  }
0x3c: {  	v3 =	vperm.xlane v3, v2  }
0x3d: {  	[hbm4b:s5+s2] =	stream.indirect_vreg.scatter [tilespmem:s25], [sflag:$0x1], $0x80, v4, vm0, $0xb8;
	[tilespmem:$0x8080] =	vst v63  }
0x3e: {  	v3 =	vadd.s32 v1, v3  }
0x3f: {  	[hbm4b:s6+s2] =	stream.indirect_vreg.scatter [tilespmem:s26], [sflag:$0x1], $0x80, v4, vm0, $0xb8;
	[tilespmem:$0x8080] =	vst v63  }
0x40: {  	_ = 	snop  }
0x41: {  	[hbm4b:s7+s2] =	stream.indirect_vreg.scatter [tilespmem:s28], [sflag:$0x1], $0x80, v4, vm0, $0xb8;
	[tilespmem:$0x8080] =	vst v63  }
0x42: {  	_ = 	snop  }
0x43: {  	[hbm4b:s3+s2] =	stream.indirect_vreg.scatter [tilespmem:s29], [sflag:$0x1], $0x80, v3, vm0, $0xb8;
	[tilespmem:$0x8080] =	vst v63  }
0x44: {  	_ = 	snop  }
0x45: {  	[hbm4b:s5+s2] =	stream.indirect_vreg.scatter [tilespmem:s30], [sflag:$0x1], $0x80, v3, vm0, $0xb8;
	[tilespmem:$0x8080] =	vst v63  }
0x46: {  	_ = 	snop  }
0x47: {  	[hbm4b:s6+s2] =	stream.indirect_vreg.scatter [tilespmem:s31], [sflag:$0x1], $0x80, v3, vm0, $0xb8;
	[tilespmem:$0x8080] =	vst v63  }
0x48: {  	_ = 	snop  }
0x49: {  	[hbm4b:s7+s2] =	stream.indirect_vreg.scatter [tilespmem:s0], [sflag:$0x1], $0x80, v3, vm0, $0xb8;
	[tilespmem:$0x8080] =	vst v63  }
0x4a: {  	_ =	swait.ge [sflag:s15], $0x8000  }
0x4b: {  	[sflag:s15] =	ssyncset.done $0x0  }
0x4c: {  	[sflag:s15] =	ssyncadd.s32 $0xFFFF8000  }
0x4d: {  	[tilespmem:s2], [sflag:$0x1] =	stream.linear.gather [hbm4b:s8+s2], $0x20, $0x38;
	[tilespmem:$0x8080] =	vst v63  }
0x4e: {  	_ =	swait.ge [sflag:s15], $0x20  }
0x4f: {  	[sflag:s15] =	ssyncset.done $0x0  }
0x50: {  	[sflag:s15] =	ssyncadd.s32 $0xFFFFFFE0  }
0x51: {  	[tilespmem:s16], [sflag:$0x1] =	stream.linear.gather [hbm4b:s9+s2], $0x8000, $0x38;
	[tilespmem:$0x8080] =	vst v63  }
0x52: {  	_ =	swait.ge [sflag:s15], $0x8000  }
0x53: {  	[sflag:s15] =	ssyncset.done $0x0  }
0x54: {  	[sflag:s15] =	ssyncadd.s32 $0xFFFF8000  }
0x55: {  	v3 =	vld [tilespmem:$0x0];
	_ =	sdelay $0x4  }
0x56: {  	v58 =	vshll.u32 v3, $0x3  }
0x57: {  	v3 =	vand.u32 $0x7, v3;
	v4 =	vand.u32 $0xFFFFFFC0, v58  }
0x58: {  	v3 =	vor.u32 v3, v4  }
0x59: {  	v4 =	vperm.xlane v3, v0;
	_ =	sdelay $0x1  }
0x5a: {  	v4 =	vadd.s32 v1, v4;
	_ =	sdelay $0x4  }
0x5b: {  	[hbm4b:s3+s2] =	stream.indirect_vreg.scatter [tilespmem:s16], [sflag:$0x1], $0x80, v4, vm0, $0xb8;
	[tilespmem:$0x8080] =	vst v63  }
0x5c: {  	v3 =	vperm.xlane v3, v2  }
0x5d: {  	[hbm4b:s5+s2] =	stream.indirect_vreg.scatter [tilespmem:s17], [sflag:$0x1], $0x80, v4, vm0, $0xb8;
	[tilespmem:$0x8080] =	vst v63  }
0x5e: {  	v3 =	vadd.s32 v1, v3  }
0x5f: {  	[hbm4b:s6+s2] =	stream.indirect_vreg.scatter [tilespmem:s18], [sflag:$0x1], $0x80, v4, vm0, $0xb8;
	[tilespmem:$0x8080] =	vst v63  }
0x60: {  	_ = 	snop  }
0x61: {  	[hbm4b:s7+s2] =	stream.indirect_vreg.scatter [tilespmem:s19], [sflag:$0x1], $0x80, v4, vm0, $0xb8;
	[tilespmem:$0x8080] =	vst v63  }
0x62: {  	_ = 	snop  }
0x63: {  	[hbm4b:s3+s2] =	stream.indirect_vreg.scatter [tilespmem:s20], [sflag:$0x1], $0x80, v3, vm0, $0xb8;
	[tilespmem:$0x8080] =	vst v63  }
0x64: {  	_ = 	snop  }
0x65: {  	[hbm4b:s5+s2] =	stream.indirect_vreg.scatter [tilespmem:s21], [sflag:$0x1], $0x80, v3, vm0, $0xb8;
	[tilespmem:$0x8080] =	vst v63  }
0x66: {  	_ = 	snop  }
0x67: {  	[hbm4b:s6+s2] =	stream.indirect_vreg.scatter [tilespmem:s22], [sflag:$0x1], $0x80, v3, vm0, $0xb8;
	[tilespmem:$0x8080] =	vst v63  }
0x68: {  	_ = 	snop  }
0x69: {  	[hbm4b:s7+s2] =	stream.indirect_vreg.scatter [tilespmem:s23], [sflag:$0x1], $0x80, v3, vm0, $0xb8;
	[tilespmem:$0x8080] =	vst v63  }
0x6a: {  	v3 =	vld [tilespmem:$0x10];
	_ =	sdelay $0x4  }
0x6b: {  	v59 =	vshll.u32 v3, $0x3  }
0x6c: {  	v3 =	vand.u32 $0x7, v3;
	v4 =	vand.u32 $0xFFFFFFC0, v59  }
0x6d: {  	v3 =	vor.u32 v3, v4  }
0x6e: {  	v4 =	vperm.xlane v3, v0;
	_ =	sdelay $0x1  }
0x6f: {  	v4 =	vadd.s32 v1, v4;
	_ =	sdelay $0x4  }
0x70: {  	[hbm4b:s3+s2] =	stream.indirect_vreg.scatter [tilespmem:s24], [sflag:$0x1], $0x80, v4, vm0, $0xb8;
	[tilespmem:$0x8080] =	vst v63  }
0x71: {  	v3 =	vperm.xlane v3, v2  }
0x72: {  	[hbm4b:s5+s2] =	stream.indirect_vreg.scatter [tilespmem:s25], [sflag:$0x1], $0x80, v4, vm0, $0xb8;
	[tilespmem:$0x8080] =	vst v63  }
0x73: {  	v3 =	vadd.s32 v1, v3  }
0x74: {  	[hbm4b:s6+s2] =	stream.indirect_vreg.scatter [tilespmem:s26], [sflag:$0x1], $0x80, v4, vm0, $0xb8;
	[tilespmem:$0x8080] =	vst v63  }
0x75: {  	_ = 	snop  }
0x76: {  	[hbm4b:s7+s2] =	stream.indirect_vreg.scatter [tilespmem:s28], [sflag:$0x1], $0x80, v4, vm0, $0xb8;
	[tilespmem:$0x8080] =	vst v63  }
0x77: {  	_ = 	snop  }
0x78: {  	[hbm4b:s3+s2] =	stream.indirect_vreg.scatter [tilespmem:s29], [sflag:$0x1], $0x80, v3, vm0, $0xb8;
	[tilespmem:$0x8080] =	vst v63  }
0x79: {  	_ = 	snop  }
0x7a: {  	[hbm4b:s5+s2] =	stream.indirect_vreg.scatter [tilespmem:s30], [sflag:$0x1], $0x80, v3, vm0, $0xb8;
	[tilespmem:$0x8080] =	vst v63  }
0x7b: {  	_ = 	snop  }
0x7c: {  	[hbm4b:s6+s2] =	stream.indirect_vreg.scatter [tilespmem:s31], [sflag:$0x1], $0x80, v3, vm0, $0xb8;
	[tilespmem:$0x8080] =	vst v63  }
0x7d: {  	_ = 	snop  }
0x7e: {  	[hbm4b:s7+s2] =	stream.indirect_vreg.scatter [tilespmem:s0], [sflag:$0x1], $0x80, v3, vm0, $0xb8;
	[tilespmem:$0x8080] =	vst v63  }
0x7f: {  	_ =	swait.ge [sflag:s15], $0x8000  }
0x80: {  	[sflag:s15] =	ssyncset.done $0x0  }
0x81: {  	[sflag:s15] =	ssyncadd.s32 $0xFFFF8000  }
0x82: {  	[tilespmem:s2], [sflag:$0x1] =	stream.linear.gather [hbm4b:s10+s2], $0x20, $0x38;
	[tilespmem:$0x8080] =	vst v63  }
0x83: {  	_ =	swait.ge [sflag:s15], $0x20  }
0x84: {  	[sflag:s15] =	ssyncset.done $0x0  }
0x85: {  	[sflag:s15] =	ssyncadd.s32 $0xFFFFFFE0  }
0x86: {  	[tilespmem:s16], [sflag:$0x1] =	stream.linear.gather [hbm4b:s11+s2], $0x8000, $0x38;
	[tilespmem:$0x8080] =	vst v63  }
0x87: {  	_ =	swait.ge [sflag:s15], $0x8000  }
0x88: {  	[sflag:s15] =	ssyncset.done $0x0  }
0x89: {  	[sflag:s15] =	ssyncadd.s32 $0xFFFF8000  }
0x8a: {  	v3 =	vld [tilespmem:$0x0];
	_ =	sdelay $0x4  }
0x8b: {  	v60 =	vshll.u32 v3, $0x3  }
0x8c: {  	v3 =	vand.u32 $0x7, v3;
	v4 =	vand.u32 $0xFFFFFFC0, v60  }
0x8d: {  	v3 =	vor.u32 v3, v4  }
0x8e: {  	v4 =	vperm.xlane v3, v0;
	_ =	sdelay $0x1  }
0x8f: {  	v4 =	vadd.s32 v1, v4;
	_ =	sdelay $0x4  }
0x90: {  	[hbm4b:s3+s2] =	stream.indirect_vreg.scatter [tilespmem:s16], [sflag:$0x1], $0x80, v4, vm0, $0xb8;
	[tilespmem:$0x8080] =	vst v63  }
0x91: {  	v3 =	vperm.xlane v3, v2  }
0x92: {  	[hbm4b:s5+s2] =	stream.indirect_vreg.scatter [tilespmem:s17], [sflag:$0x1], $0x80, v4, vm0, $0xb8;
	[tilespmem:$0x8080] =	vst v63  }
0x93: {  	v3 =	vadd.s32 v1, v3  }
0x94: {  	[hbm4b:s6+s2] =	stream.indirect_vreg.scatter [tilespmem:s18], [sflag:$0x1], $0x80, v4, vm0, $0xb8;
	[tilespmem:$0x8080] =	vst v63  }
0x95: {  	_ = 	snop  }
0x96: {  	[hbm4b:s7+s2] =	stream.indirect_vreg.scatter [tilespmem:s19], [sflag:$0x1], $0x80, v4, vm0, $0xb8;
	[tilespmem:$0x8080] =	vst v63  }
0x97: {  	_ = 	snop  }
0x98: {  	[hbm4b:s3+s2] =	stream.indirect_vreg.scatter [tilespmem:s20], [sflag:$0x1], $0x80, v3, vm0, $0xb8;
	[tilespmem:$0x8080] =	vst v63  }
0x99: {  	_ = 	snop  }
0x9a: {  	[hbm4b:s5+s2] =	stream.indirect_vreg.scatter [tilespmem:s21], [sflag:$0x1], $0x80, v3, vm0, $0xb8;
	[tilespmem:$0x8080] =	vst v63  }
0x9b: {  	_ = 	snop  }
0x9c: {  	[hbm4b:s6+s2] =	stream.indirect_vreg.scatter [tilespmem:s22], [sflag:$0x1], $0x80, v3, vm0, $0xb8;
	[tilespmem:$0x8080] =	vst v63  }
0x9d: {  	_ = 	snop  }
0x9e: {  	[hbm4b:s7+s2] =	stream.indirect_vreg.scatter [tilespmem:s23], [sflag:$0x1], $0x80, v3, vm0, $0xb8;
	[tilespmem:$0x8080] =	vst v63  }
0x9f: {  	v3 =	vld [tilespmem:$0x10];
	_ =	sdelay $0x4  }
0xa0: {  	v61 =	vshll.u32 v3, $0x3  }
0xa1: {  	v3 =	vand.u32 $0x7, v3;
	v4 =	vand.u32 $0xFFFFFFC0, v61  }
0xa2: {  	v3 =	vor.u32 v3, v4  }
0xa3: {  	v4 =	vperm.xlane v3, v0;
	_ =	sdelay $0x1  }
0xa4: {  	v4 =	vadd.s32 v1, v4;
	_ =	sdelay $0x4  }
0xa5: {  	[hbm4b:s3+s2] =	stream.indirect_vreg.scatter [tilespmem:s24], [sflag:$0x1], $0x80, v4, vm0, $0xb8;
	[tilespmem:$0x8080] =	vst v63  }
0xa6: {  	v3 =	vperm.xlane v3, v2  }
0xa7: {  	[hbm4b:s5+s2] =	stream.indirect_vreg.scatter [tilespmem:s25], [sflag:$0x1], $0x80, v4, vm0, $0xb8;
	[tilespmem:$0x8080] =	vst v63  }
0xa8: {  	v3 =	vadd.s32 v1, v3  }
0xa9: {  	[hbm4b:s6+s2] =	stream.indirect_vreg.scatter [tilespmem:s26], [sflag:$0x1], $0x80, v4, vm0, $0xb8;
	[tilespmem:$0x8080] =	vst v63  }
0xaa: {  	_ = 	snop  }
0xab: {  	[hbm4b:s7+s2] =	stream.indirect_vreg.scatter [tilespmem:s28], [sflag:$0x1], $0x80, v4, vm0, $0xb8;
	[tilespmem:$0x8080] =	vst v63  }
0xac: {  	_ = 	snop  }
0xad: {  	[hbm4b:s3+s2] =	stream.indirect_vreg.scatter [tilespmem:s29], [sflag:$0x1], $0x80, v3, vm0, $0xb8;
	[tilespmem:$0x8080] =	vst v63  }
0xae: {  	_ = 	snop  }
0xaf: {  	[hbm4b:s5+s2] =	stream.indirect_vreg.scatter [tilespmem:s30], [sflag:$0x1], $0x80, v3, vm0, $0xb8;
	[tilespmem:$0x8080] =	vst v63  }
0xb0: {  	_ = 	snop  }
0xb1: {  	[hbm4b:s6+s2] =	stream.indirect_vreg.scatter [tilespmem:s31], [sflag:$0x1], $0x80, v3, vm0, $0xb8;
	[tilespmem:$0x8080] =	vst v63  }
0xb2: {  	_ = 	snop  }
0xb3: {  	[hbm4b:s7+s2] =	stream.indirect_vreg.scatter [tilespmem:s0], [sflag:$0x1], $0x80, v3, vm0, $0xb8;
	[tilespmem:$0x8080] =	vst v63  }
0xb4: {  	_ =	swait.ge [sflag:s15], $0x8000  }
0xb5: {  	[sflag:s15] =	ssyncset.done $0x0  }
0xb6: {  	[sflag:s15] =	ssyncadd.s32 $0xFFFF8000  }
0xb7: {  	[tilespmem:s2], [sflag:$0x1] =	stream.linear.gather [hbm4b:s12+s2], $0x20, $0x38;
	[tilespmem:$0x8080] =	vst v63  }
0xb8: {  	_ =	swait.ge [sflag:s15], $0x20  }
0xb9: {  	[sflag:s15] =	ssyncset.done $0x0  }
0xba: {  	[sflag:s15] =	ssyncadd.s32 $0xFFFFFFE0  }
0xbb: {  	[tilespmem:s16], [sflag:$0x1] =	stream.linear.gather [hbm4b:s13+s2], $0x8000, $0x38;
	[tilespmem:$0x8080] =	vst v63  }
0xbc: {  	_ =	swait.ge [sflag:s15], $0x8000  }
0xbd: {  	[sflag:s15] =	ssyncset.done $0x0  }
0xbe: {  	[sflag:s15] =	ssyncadd.s32 $0xFFFF8000  }
0xbf: {  	v3 =	vld [tilespmem:$0x0];
	_ =	sdelay $0x4  }
0xc0: {  	v62 =	vshll.u32 v3, $0x3  }
0xc1: {  	v3 =	vand.u32 $0x7, v3;
	v4 =	vand.u32 $0xFFFFFFC0, v62  }
0xc2: {  	v3 =	vor.u32 v3, v4  }
0xc3: {  	v4 =	vperm.xlane v3, v0;
	_ =	sdelay $0x1  }
0xc4: {  	v4 =	vadd.s32 v1, v4;
	_ =	sdelay $0x4  }
0xc5: {  	[hbm4b:s3+s2] =	stream.indirect_vreg.scatter [tilespmem:s16], [sflag:$0x1], $0x80, v4, vm0, $0xb8;
	[tilespmem:$0x8080] =	vst v63  }
0xc6: {  	v3 =	vperm.xlane v3, v2  }
0xc7: {  	[hbm4b:s5+s2] =	stream.indirect_vreg.scatter [tilespmem:s17], [sflag:$0x1], $0x80, v4, vm0, $0xb8;
	[tilespmem:$0x8080] =	vst v63  }
0xc8: {  	v3 =	vadd.s32 v1, v3  }
0xc9: {  	[hbm4b:s6+s2] =	stream.indirect_vreg.scatter [tilespmem:s18], [sflag:$0x1], $0x80, v4, vm0, $0xb8;
	[tilespmem:$0x8080] =	vst v63  }
0xca: {  	_ = 	snop  }
0xcb: {  	[hbm4b:s7+s2] =	stream.indirect_vreg.scatter [tilespmem:s19], [sflag:$0x1], $0x80, v4, vm0, $0xb8;
	[tilespmem:$0x8080] =	vst v63  }
0xcc: {  	_ = 	snop  }
0xcd: {  	[hbm4b:s3+s2] =	stream.indirect_vreg.scatter [tilespmem:s20], [sflag:$0x1], $0x80, v3, vm0, $0xb8;
	[tilespmem:$0x8080] =	vst v63  }
0xce: {  	_ = 	snop  }
0xcf: {  	[hbm4b:s5+s2] =	stream.indirect_vreg.scatter [tilespmem:s21], [sflag:$0x1], $0x80, v3, vm0, $0xb8;
	[tilespmem:$0x8080] =	vst v63  }
0xd0: {  	_ = 	snop  }
0xd1: {  	[hbm4b:s6+s2] =	stream.indirect_vreg.scatter [tilespmem:s22], [sflag:$0x1], $0x80, v3, vm0, $0xb8;
	[tilespmem:$0x8080] =	vst v63  }
0xd2: {  	_ = 	snop  }
0xd3: {  	[hbm4b:s7+s2] =	stream.indirect_vreg.scatter [tilespmem:s23], [sflag:$0x1], $0x80, v3, vm0, $0xb8;
	[tilespmem:$0x8080] =	vst v63  }
0xd4: {  	v3 =	vld [tilespmem:$0x10];
	_ =	sdelay $0x4  }
0xd5: {  	v63 =	vshll.u32 v3, $0x3  }
0xd6: {  	v3 =	vand.u32 $0x7, v3;
	v4 =	vand.u32 $0xFFFFFFC0, v63  }
0xd7: {  	v3 =	vor.u32 v3, v4  }
0xd8: {  	v4 =	vperm.xlane v3, v0;
	_ =	sdelay $0x1  }
0xd9: {  	v4 =	vadd.s32 v1, v4;
	_ =	sdelay $0x4  }
0xda: {  	[hbm4b:s3+s2] =	stream.indirect_vreg.scatter [tilespmem:s24], [sflag:$0x1], $0x80, v4, vm0, $0xb8;
	[tilespmem:$0x8080] =	vst v63  }
0xdb: {  	v3 =	vperm.xlane v3, v2  }
0xdc: {  	[hbm4b:s5+s2] =	stream.indirect_vreg.scatter [tilespmem:s25], [sflag:$0x1], $0x80, v4, vm0, $0xb8;
	[tilespmem:$0x8080] =	vst v63  }
0xdd: {  	v3 =	vadd.s32 v1, v3  }
0xde: {  	[hbm4b:s6+s2] =	stream.indirect_vreg.scatter [tilespmem:s26], [sflag:$0x1], $0x80, v4, vm0, $0xb8;
	[tilespmem:$0x8080] =	vst v63  }
0xdf: {  	_ = 	snop  }
0xe0: {  	[hbm4b:s7+s2] =	stream.indirect_vreg.scatter [tilespmem:s28], [sflag:$0x1], $0x80, v4, vm0, $0xb8;
	[tilespmem:$0x8080] =	vst v63  }
0xe1: {  	_ = 	snop  }
0xe2: {  	[hbm4b:s3+s2] =	stream.indirect_vreg.scatter [tilespmem:s29], [sflag:$0x1], $0x80, v3, vm0, $0xb8;
	[tilespmem:$0x8080] =	vst v63  }
0xe3: {  	_ = 	snop  }
0xe4: {  	[hbm4b:s5+s2] =	stream.indirect_vreg.scatter [tilespmem:s30], [sflag:$0x1], $0x80, v3, vm0, $0xb8;
	[tilespmem:$0x8080] =	vst v63  }
0xe5: {  	p0 =	sne.s32 s14, $0x1  }
0xe6: {  	[hbm4b:s6+s2] =	stream.indirect_vreg.scatter [tilespmem:s31], [sflag:$0x1], $0x80, v3, vm0, $0xb8;
	[tilespmem:$0x8080] =	vst v63  }
.Ltmp0:
0xe7: {  	_ = 	snop;
	(pc) =	sbr.rel @p0 .LBB2_1-.Ltmp0, $4  }
0xe8: {  	[hbm4b:s7+s2] =	stream.indirect_vreg.scatter [tilespmem:s0], [sflag:$0x1], $0x80, v3, vm0, $0xb8;
	[tilespmem:$0x8080] =	vst v63  }
0xe9: {  	_ =	swait.ge [sflag:s15], $0x8000  }
0xea: {  	[sflag:s15] =	ssyncset.done $0x0  }
0xeb: {  	s14 =	sadd.s32 $0xFFFFFFFF, s14;
	[sflag:s15] =	ssyncadd.s32 $0xFFFF8000  }
0xec: {  	_ =	sfence.sel $0x180000  }
0xed: {  	[bflag:$0x0] =	sbarrier.arrive $0xFFFF  }
0xee: {  	_ =	strace $0x90000047  }
0xef: {  	s0 =	stileid.u32;
	[bflag:$0x2] =	sbarrier.arrive $0xFFFF  }
0xf0: {  	p0 =	sne.s32 s0, $0x0;
	s0 =	rddreg [dreg:$0x3]  }
0xf1: {  	s0 =	sadd.s32 @!p0 $0x100000, s0  }
0xf2: {  	[sflag:s0] =	ssyncadd.tile.s32 @!p0 $0x1;
	_ =	shalt  }
.Lfunc_end2:
_tile_overlayer_lowered:
.L_overlay_start_2:
0xf3: {  	(tag) =	ssettag $0x2  }
0xf4: {  	s0 =	rddreg [dreg:$0x0];
	s2 =	stileid.u32  }
0xf5: {  	s1 =	rddreg [dreg:$0x1];
	p0 =	sne.s32 s2, $0x0  }
0xf6: {  	s3 =	rddreg [dreg:$0x2];
	[bflag:$0x3] =	sbarrier.arrive $0xFFFF;
	s2 =	simm.s32 @!p0 $0x1C01  }
0xf7: {  	[timem:s3], [sflag:s2] =	dma.local @!p0 [hbm:s0], s1  }
0xf8: {  	s0 =	simm.s32 @!p0 $0x1  }
0xf9: {  	_ =	swait.ge @!p0 [sflag:s0], s1  }
0xfa: {  	s1 =	ssub.s32 @!p0 $0x0, s1;
	[sflag:s0] =	ssyncset.done @!p0 $0x0  }
0xfb: {  	[sflag:s0] =	ssyncadd.s32 @!p0 s1  }
0xfc: {  	[bflag:$0x3] =	sbarrier.arrive $0xFFFF  }
0xfd: {  	_ =	shalt  }

</sc_bundles>
